<compile_context>
chip_gen: v7x
topology: tpu7x:2x2x1
jax: 0.10.2.dev20260603
libtpu: 0.0.44.dev20260713+nightly
codegen_flags: <defaults>
</compile_context>

<pallas_src>
import functools

import jax
import jax.numpy as jnp
from jax import lax
from jax.experimental import pallas as pl
from jax.experimental.pallas import tpu as pltpu
from jax.experimental.pallas import tpu_sc as plsc

_E = 64
_K = 8
_NG = 8
_KG = 4
_GS = _E // _NG
_D = 1024
_F = 512
_T = 128
_SCALE = 2.5
_EPB = 2
_L = 16
_NCHUNK = _T // _L


def _logits_kernel(x_ref, gw_ref, gb_ref, scores_ref, s4c_ref):
    lt = lax.dot_general(gw_ref[...], x_ref[...], (((1,), (1,)), ((), ())),
                         preferred_element_type=jnp.float32)
    sc = jax.nn.sigmoid(lt)
    s4c = sc + gb_ref[...]
    for c in range(_NCHUNK):
        scores_ref[c] = sc[:, c * _L:(c + 1) * _L]
        s4c_ref[c] = s4c[:, c * _L:(c + 1) * _L]


def _sc_gate_body(scores_hbm, s4c_hbm, wd_hbm, scores_v, s4_v, m4_v, out_v,
                  gs_v, gact_v):
    wid = lax.axis_index("s") * 2 + lax.axis_index("c")

    @pl.when(wid < _NCHUNK)
    def _():
        pltpu.sync_copy(scores_hbm.at[wid], scores_v)
        pltpu.sync_copy(s4c_hbm.at[wid], s4_v)

        neg = jnp.full((_L,), -jnp.inf, jnp.float32)
        one = jnp.full((_L,), 1.0, jnp.float32)

        def _grp(g, _):
            def _run(j, c):
                m1, m2 = c
                v = s4_v[g * _GS + j]
                gt = v > m1
                return (jnp.maximum(m1, v),
                        jnp.where(gt, m1, jnp.maximum(m2, v)))
            m1, m2 = lax.fori_loop(0, _GS, _run, (neg, neg))
            gs_v[g] = m1 + m2
            gact_v[g] = jnp.zeros((_L,), jnp.float32)
            return 0
        lax.fori_loop(0, _NG, _grp, 0)

        def _g4(_it, _):
            def _gscan(g, best):
                v = jnp.where(gact_v[g] > 0, neg, gs_v[g])
                return jnp.maximum(best, v)
            best = lax.fori_loop(0, _NG, _gscan, neg)

            def _gmark(g, done):
                v = jnp.where(gact_v[g] > 0, neg, gs_v[g])
                pick = jnp.logical_and(v == best, done == 0.0)
                gact_v[g] = jnp.where(pick, one, gact_v[g])
                return jnp.where(pick, one, done)
            lax.fori_loop(0, _NG, _gmark, jnp.zeros((_L,), jnp.float32))
            return 0
        lax.fori_loop(0, _KG, _g4, 0)

        def _init(e2, _):
            m4_v[e2] = jnp.where(gact_v[e2 // _GS] > 0, s4_v[e2], neg)
            return 0
        lax.fori_loop(0, _E, _init, 0, unroll=4)

        def _top8(_it, _):
            def _scan(e2, best):
                return jnp.maximum(best, m4_v[e2])
            best = lax.fori_loop(0, _E, _scan, neg, unroll=8)

            def _mark(e2, done):
                v = m4_v[e2]
                pick = jnp.logical_and(v == best, done == 0.0)
                m4_v[e2] = jnp.where(pick, neg, v)
                return jnp.where(pick, one, done)
            lax.fori_loop(0, _E, _mark, jnp.zeros((_L,), jnp.float32),
                          unroll=8)
            return 0
        lax.fori_loop(0, _K, _top8, 0)

        def _wsum(e2, denom):
            w = jnp.where(
                jnp.logical_and(gact_v[e2 // _GS] > 0, m4_v[e2] == neg),
                scores_v[e2], 0.0)
            out_v[e2, 0] = w
            return denom + w
        denom = lax.fori_loop(0, _E, _wsum, jnp.zeros((_L,), jnp.float32),
                              unroll=4)

        scale = _SCALE / (denom + 1e-20)

        def _norm(e2, _):
            out_v[e2, 0] = out_v[e2, 0] * scale
            return 0
        lax.fori_loop(0, _E, _norm, 0, unroll=4)

        pltpu.sync_copy(out_v, wd_hbm.at[:, wid])


_sc_gate = functools.partial(
    pl.kernel,
    out_type=jax.ShapeDtypeStruct((_E, _NCHUNK, 1, _L), jnp.float32),
    mesh=plsc.VectorSubcoreMesh(core_axis_name="c", subcore_axis_name="s"),
    scratch_types=[
        pltpu.VMEM((_E, _L), jnp.float32),
        pltpu.VMEM((_E, _L), jnp.float32),
        pltpu.VMEM((_E, _L), jnp.float32),
        pltpu.VMEM((_E, 1, _L), jnp.float32),
        pltpu.VMEM((_NG, _L), jnp.float32),
        pltpu.VMEM((_NG, _L), jnp.float32),
    ],
)(_sc_gate_body)


_EA = 4


def _mlp(x, wg, wu, wd):
    h = jnp.dot(x, wg, preferred_element_type=jnp.float32)
    u = jnp.dot(x, wu, preferred_element_type=jnp.float32)
    act = (h * jax.nn.sigmoid(h)) * u
    return jnp.dot(act, wd, preferred_element_type=jnp.float32)


def _moe_a_kernel(x_ref, wg_ref, wu_ref, wd_w_ref, y_ref):
    x = x_ref[...]
    for j in range(_EPB):
        y_ref[j] = _mlp(x, wg_ref[j], wu_ref[j], wd_w_ref[j]).astype(
            jnp.bfloat16)


def _moe_b_kernel(x_ref, wdT_ref, y8_ref, wg_ref, wu_ref, wd_w_ref, out_ref,
                  wd_scr):
    e = pl.program_id(0)
    lane = lax.broadcasted_iota(jnp.int32, (_T, _E), 1)

    def _wcol(idx):
        return jnp.sum(jnp.where(lane == idx, wd_scr[...], 0.0),
                       axis=1, keepdims=True)

    @pl.when(e == 0)
    def _():
        ii = lax.broadcasted_iota(jnp.int32, (_E, _E), 0)
        jj = lax.broadcasted_iota(jnp.int32, (_E, _E), 1)
        eye = (ii == jj).astype(jnp.float32)
        wd_scr[...] = lax.dot_general(wdT_ref[...], eye,
                                      (((0,), (0,)), ((), ())),
                                      preferred_element_type=jnp.float32)
        out_ref[...] = jnp.zeros((_T, _D), jnp.float32)

    @pl.when(e < _EA // _EPB)
    def _():
        contrib_a = jnp.zeros((_T, _D), jnp.float32)
        for j in range(_EPB):
            contrib_a = contrib_a + (
                y8_ref[j].astype(jnp.float32) * _wcol(_EPB * e + j))
        out_ref[...] += contrib_a

    x = x_ref[...]
    contrib = jnp.zeros((_T, _D), jnp.float32)
    for j in range(_EPB):
        y = _mlp(x, wg_ref[j], wu_ref[j], wd_w_ref[j])
        contrib = contrib + y * _wcol(_EA + _EPB * e + j)
    out_ref[...] += contrib


def kernel(tt_input, gate_w, gate_bias, w_gate, w_up, w_down):
    gb_col = gate_bias.reshape(_E, 1)
    scores_c, s4c_c = pl.pallas_call(
        _logits_kernel,
        in_specs=[
            pl.BlockSpec((_T, _D), lambda: (0, 0)),
            pl.BlockSpec((_E, _D), lambda: (0, 0)),
            pl.BlockSpec((_E, 1), lambda: (0, 0)),
        ],
        out_specs=[
            pl.BlockSpec((_NCHUNK, _E, _L), lambda: (0, 0, 0)),
            pl.BlockSpec((_NCHUNK, _E, _L), lambda: (0, 0, 0)),
        ],
        out_shape=[
            jax.ShapeDtypeStruct((_NCHUNK, _E, _L), jnp.float32),
            jax.ShapeDtypeStruct((_NCHUNK, _E, _L), jnp.float32),
        ],
    )(tt_input, gate_w, gb_col)

    wdT = _sc_gate(scores_c, s4c_c).reshape(_E, _T)

    y8 = pl.pallas_call(
        _moe_a_kernel,
        grid=(_EA // _EPB,),
        in_specs=[
            pl.BlockSpec((_T, _D), lambda e: (0, 0)),
            pl.BlockSpec((_EPB, _D, _F), lambda e: (e, 0, 0)),
            pl.BlockSpec((_EPB, _D, _F), lambda e: (e, 0, 0)),
            pl.BlockSpec((_EPB, _F, _D), lambda e: (e, 0, 0)),
        ],
        out_specs=pl.BlockSpec((_EPB, _T, _D), lambda e: (e, 0, 0)),
        out_shape=jax.ShapeDtypeStruct((_EA, _T, _D), jnp.bfloat16),
        compiler_params=pltpu.CompilerParams(
            dimension_semantics=("arbitrary",),
        ),
    )(tt_input, w_gate, w_up, w_down)

    nb = (_E - _EA) // _EPB
    return pl.pallas_call(
        _moe_b_kernel,
        grid=(nb,),
        in_specs=[
            pl.BlockSpec((_T, _D), lambda e: (0, 0)),
            pl.BlockSpec((_E, _T), lambda e: (0, 0)),
            pl.BlockSpec((_EPB, _T, _D),
                         lambda e: (jnp.minimum(e, _EA // _EPB - 1), 0, 0)),
            pl.BlockSpec((_EPB, _D, _F), lambda e: (e + _EA // _EPB, 0, 0)),
            pl.BlockSpec((_EPB, _D, _F), lambda e: (e + _EA // _EPB, 0, 0)),
            pl.BlockSpec((_EPB, _F, _D), lambda e: (e + _EA // _EPB, 0, 0)),
        ],
        out_specs=pl.BlockSpec((_T, _D), lambda e: (0, 0)),
        out_shape=jax.ShapeDtypeStruct((_T, _D), jnp.float32),
        scratch_shapes=[pltpu.VMEM((_T, _E), jnp.float32)],
        compiler_params=pltpu.CompilerParams(
            dimension_semantics=("arbitrary",),
        ),
    )(tt_input, wdT, y8, w_gate, w_up, w_down)

# --- scband reference (transcript-rebuilt; emitter-appended) ---
"""Pipeline reference for scband-tt-mo-e-50156628082942 (READ-ONLY COPY).

The authoritative reference and input builder live on the scoring server;
editing this copy changes nothing except your own understanding.
"""

import jax, jax.numpy as jnp
import numpy as np

NUM_EXPERTS = 64
TOP_K = 8
N_GROUP = 8
TOPK_GROUP = 4
D_MODEL = 1024
D_FF = 512
TOKENS = 128
ROUTED_SCALE = 2.5


def setup_inputs(seed: int = 0) -> dict:
    key = jax.random.key(seed)
    ks = jax.random.split(key, 6)
    tt_input = jax.random.normal(ks[0], (TOKENS, D_MODEL), dtype=jnp.float32)
    gate_w = jax.random.normal(ks[1], (NUM_EXPERTS, D_MODEL), dtype=jnp.float32) * (D_MODEL ** -0.5)
    gate_bias = jax.random.normal(ks[2], (NUM_EXPERTS,), dtype=jnp.float32) * 0.01
    w_gate = jax.random.normal(ks[3], (NUM_EXPERTS, D_MODEL, D_FF), dtype=jnp.float32) * (D_MODEL ** -0.5)
    w_up = jax.random.normal(ks[4], (NUM_EXPERTS, D_MODEL, D_FF), dtype=jnp.float32) * (D_MODEL ** -0.5)
    w_down = jax.random.normal(ks[5], (NUM_EXPERTS, D_FF, D_MODEL), dtype=jnp.float32) * (D_FF ** -0.5)
    return {"tt_input": tt_input, "gate_w": gate_w, "gate_bias": gate_bias,
            "w_gate": w_gate, "w_up": w_up, "w_down": w_down}


def _gate(x, gate_w, gate_bias):
    # DeepSeek-style noaux_tc gate: sigmoid scores + bias-corrected group-limited top-k
    t = x.shape[0]
    logits = x @ gate_w.T                                   # [T, E]
    scores = jax.nn.sigmoid(logits)                         # [T, E]
    scores_for_choice = scores + gate_bias[None, :]         # bias only affects selection
    grp = scores_for_choice.reshape(t, N_GROUP, NUM_EXPERTS // N_GROUP)
    top2, _ = jax.lax.top_k(grp, 2)
    group_scores = top2.sum(axis=-1)                        # [T, n_group]
    _, gidx = jax.lax.top_k(group_scores, TOPK_GROUP)       # [T, topk_group]
    group_mask = jnp.zeros((t, N_GROUP), dtype=scores.dtype).at[
        jnp.arange(t)[:, None], gidx].set(1.0)
    score_mask = jnp.repeat(group_mask, NUM_EXPERTS // N_GROUP, axis=1)  # [T, E]
    masked = jnp.where(score_mask > 0, scores_for_choice, -jnp.inf)
    _, topk_idx = jax.lax.top_k(masked, TOP_K)              # [T, top_k]
    topk_w = jnp.take_along_axis(scores, topk_idx, axis=1)  # weights from raw sigmoid scores
    topk_w = topk_w / (topk_w.sum(axis=-1, keepdims=True) + 1e-20)
    topk_w = topk_w * ROUTED_SCALE
    return topk_w, topk_idx


def _moe_forward(x, gate_w, gate_bias, w_gate, w_up, w_down):
    t = x.shape[0]
    topk_w, topk_idx = _gate(x, gate_w, gate_bias)
    # dense dispatch weights (scatter-add of top-k routing weights)
    w_dense = jnp.zeros((t, NUM_EXPERTS), dtype=x.dtype).at[
        jnp.arange(t)[:, None], topk_idx].add(topk_w)       # [T, E]
    # every token through every expert (mirrors replicated-expert compute), then weighted combine
    h = jnp.einsum('td,edf->tef', x, w_gate)
    u = jnp.einsum('td,edf->tef', x, w_up)
    act = jax.nn.silu(h) * u
    y = jnp.einsum('tef,efd->ted', act, w_down)             # [T, E, d]
    out = jnp.einsum('ted,te->td', y, w_dense)              # weighted all_to_all_combine + sum
    return out


def reference(tt_input, gate_w, gate_bias, w_gate, w_up, w_down):
    return _moe_forward(tt_input, gate_w, gate_bias, w_gate, w_up, w_down)

if __name__ == "__main__":
    import jax
    _d = setup_inputs()
    print(jax.jit(kernel)(*tuple(_d.values())))

</pallas_src>

<mosaic_0001>
#map = affine_map<(d0, d1) -> (0, 0, 0)>
#map1 = affine_map<(d0, d1) -> (0, 0, 0, 0)>
module attributes {stable_mosaic.version = 14 : i64} {
  func.func @_sc_gate_body(%arg0: i32, %arg1: i32, %arg2: memref<8x64x16xf32, #tpu.memory_space<hbm>>, %arg3: memref<8x64x16xf32, #tpu.memory_space<hbm>>, %arg4: memref<64x8x1x16xf32, #tpu.memory_space<hbm>>, %arg5: memref<64x16xf32, #tpu.memory_space<vmem>>, %arg6: memref<64x16xf32, #tpu.memory_space<vmem>>, %arg7: memref<64x16xf32, #tpu.memory_space<vmem>>, %arg8: memref<64x1x16xf32, #tpu.memory_space<vmem>>, %arg9: memref<8x16xf32, #tpu.memory_space<vmem>>, %arg10: memref<8x16xf32, #tpu.memory_space<vmem>>) attributes {dimension_semantics = [#tpu.dimension_semantics<core_parallel>, #tpu.dimension_semantics<subcore_parallel>], iteration_bounds = array<i64: 2, 16>, scalar_prefetch = 0 : i64, scratch_operands = 6 : i64, tpu.core_type = #tpu.core_type<sc_vector_subcore>, window_params = [{transform_indices = #map}, {transform_indices = #map}, {transform_indices = #map1}]} {
    %mul3A = arith.constant 2 : i32
    %mul3A_0 = arith.muli %arg1, %mul3A : i32
    %add3A = arith.addi %mul3A_0, %arg0 : i32
    %lt3A = arith.constant 8 : i32
    %lt3A_1 = arith.cmpi slt, %add3A, %lt3A : i32
    %convert_element_type3A = arith.extui %lt3A_1 : i1 to i32
    %cond3A = arith.constant 0 : i32
    %cond3A_2 = arith.cmpi ne, %convert_element_type3A, %cond3A : i32
    scf.if %cond3A_2 {
      "tpu.region"() ({
        %run_scoped3A = tpu.sem_alloc : memref<!tpu.dma_semaphore, #tpu.memory_space<semaphore_mem>>
        %dma_start3A = arith.constant 0 : i32
        %dma_start3A_53 = arith.constant 0 : i32
        %dma_start3A_54 = tpu.memref_slice %arg2[%add3A, %dma_start3A, %dma_start3A_53] : memref<8x64x16xf32, #tpu.memory_space<hbm>> -> memref<1x64x16xf32, #tpu.memory_space<hbm>>
        %dma_start3A_55 = tpu.memref_squeeze %dma_start3A_54 : memref<1x64x16xf32, #tpu.memory_space<hbm>> -> memref<64x16xf32, #tpu.memory_space<hbm>>
        %dma_start3A_56 = arith.constant 0 : i32
        %dma_start3A_57 = arith.constant 0 : i32
        %dma_start3A_58 = tpu.memref_slice %arg2[%add3A, %dma_start3A_56, %dma_start3A_57] : memref<8x64x16xf32, #tpu.memory_space<hbm>> -> memref<1x64x16xf32, #tpu.memory_space<hbm>>
        %dma_start3A_59 = tpu.memref_squeeze %dma_start3A_58 : memref<1x64x16xf32, #tpu.memory_space<hbm>> -> memref<64x16xf32, #tpu.memory_space<hbm>>
        tpu.enqueue_dma source(%dma_start3A_59 : memref<64x16xf32, #tpu.memory_space<hbm>>) target(%arg5 : memref<64x16xf32, #tpu.memory_space<vmem>>) target_semaphore(%run_scoped3A : memref<!tpu.dma_semaphore, #tpu.memory_space<semaphore_mem>>)
        %dma_wait3A = arith.constant 0 : i32
        %dma_wait3A_60 = arith.constant 0 : i32
        %dma_wait3A_61 = tpu.memref_slice %arg2[%add3A, %dma_wait3A, %dma_wait3A_60] : memref<8x64x16xf32, #tpu.memory_space<hbm>> -> memref<1x64x16xf32, #tpu.memory_space<hbm>>
        %dma_wait3A_62 = tpu.memref_squeeze %dma_wait3A_61 : memref<1x64x16xf32, #tpu.memory_space<hbm>> -> memref<64x16xf32, #tpu.memory_space<hbm>>
        %dma_wait3A_63 = arith.constant 0 : i32
        %dma_wait3A_64 = arith.constant 0 : i32
        %dma_wait3A_65 = tpu.memref_slice %arg2[%add3A, %dma_wait3A_63, %dma_wait3A_64] : memref<8x64x16xf32, #tpu.memory_space<hbm>> -> memref<1x64x16xf32, #tpu.memory_space<hbm>>
        %dma_wait3A_66 = tpu.memref_squeeze %dma_wait3A_65 : memref<1x64x16xf32, #tpu.memory_space<hbm>> -> memref<64x16xf32, #tpu.memory_space<hbm>>
        tpu.wait_dma2 semaphore(%run_scoped3A : memref<!tpu.dma_semaphore, #tpu.memory_space<semaphore_mem>>) src(%dma_wait3A_66 : memref<64x16xf32, #tpu.memory_space<hbm>>) dst(%arg5 : memref<64x16xf32, #tpu.memory_space<vmem>>)
        tpu.yield
      }) : () -> ()
      "tpu.region"() ({
        %run_scoped3A = tpu.sem_alloc : memref<!tpu.dma_semaphore, #tpu.memory_space<semaphore_mem>>
        %dma_start3A = arith.constant 0 : i32
        %dma_start3A_53 = arith.constant 0 : i32
        %dma_start3A_54 = tpu.memref_slice %arg3[%add3A, %dma_start3A, %dma_start3A_53] : memref<8x64x16xf32, #tpu.memory_space<hbm>> -> memref<1x64x16xf32, #tpu.memory_space<hbm>>
        %dma_start3A_55 = tpu.memref_squeeze %dma_start3A_54 : memref<1x64x16xf32, #tpu.memory_space<hbm>> -> memref<64x16xf32, #tpu.memory_space<hbm>>
        %dma_start3A_56 = arith.constant 0 : i32
        %dma_start3A_57 = arith.constant 0 : i32
        %dma_start3A_58 = tpu.memref_slice %arg3[%add3A, %dma_start3A_56, %dma_start3A_57] : memref<8x64x16xf32, #tpu.memory_space<hbm>> -> memref<1x64x16xf32, #tpu.memory_space<hbm>>
        %dma_start3A_59 = tpu.memref_squeeze %dma_start3A_58 : memref<1x64x16xf32, #tpu.memory_space<hbm>> -> memref<64x16xf32, #tpu.memory_space<hbm>>
        tpu.enqueue_dma source(%dma_start3A_59 : memref<64x16xf32, #tpu.memory_space<hbm>>) target(%arg6 : memref<64x16xf32, #tpu.memory_space<vmem>>) target_semaphore(%run_scoped3A : memref<!tpu.dma_semaphore, #tpu.memory_space<semaphore_mem>>)
        %dma_wait3A = arith.constant 0 : i32
        %dma_wait3A_60 = arith.constant 0 : i32
        %dma_wait3A_61 = tpu.memref_slice %arg3[%add3A, %dma_wait3A, %dma_wait3A_60] : memref<8x64x16xf32, #tpu.memory_space<hbm>> -> memref<1x64x16xf32, #tpu.memory_space<hbm>>
        %dma_wait3A_62 = tpu.memref_squeeze %dma_wait3A_61 : memref<1x64x16xf32, #tpu.memory_space<hbm>> -> memref<64x16xf32, #tpu.memory_space<hbm>>
        %dma_wait3A_63 = arith.constant 0 : i32
        %dma_wait3A_64 = arith.constant 0 : i32
        %dma_wait3A_65 = tpu.memref_slice %arg3[%add3A, %dma_wait3A_63, %dma_wait3A_64] : memref<8x64x16xf32, #tpu.memory_space<hbm>> -> memref<1x64x16xf32, #tpu.memory_space<hbm>>
        %dma_wait3A_66 = tpu.memref_squeeze %dma_wait3A_65 : memref<1x64x16xf32, #tpu.memory_space<hbm>> -> memref<64x16xf32, #tpu.memory_space<hbm>>
        tpu.wait_dma2 semaphore(%run_scoped3A : memref<!tpu.dma_semaphore, #tpu.memory_space<semaphore_mem>>) src(%dma_wait3A_66 : memref<64x16xf32, #tpu.memory_space<hbm>>) dst(%arg6 : memref<64x16xf32, #tpu.memory_space<vmem>>)
        tpu.yield
      }) : () -> ()
      %broadcast_in_dim3A = arith.constant 0xFF800000 : f32
      %broadcast_in_dim3A_3 = vector.broadcast %broadcast_in_dim3A : f32 to vector<16xf32>
      %broadcast_in_dim3A_4 = arith.constant 1.000000e+00 : f32
      %broadcast_in_dim3A_5 = vector.broadcast %broadcast_in_dim3A_4 : f32 to vector<16xf32>
      %scan3A = arith.constant 0 : i32
      %scan3A_6 = arith.constant 0 : i32
      %scan3A_7 = arith.constant 8 : i32
      %scan3A_8 = arith.addi %scan3A_6, %scan3A_7 : i32
      %scan3A_9 = arith.constant 1 : i32
      %scan3A_10 = scf.for %scan3A_53 = %scan3A_6 to %scan3A_8 step %scan3A_9 iter_args(%scan3A_54 = %scan3A) -> (i32)  : i32 {
        %scan3A_55 = arith.constant 0 : i32
        %scan3A_56 = arith.constant 8 : i32
        %scan3A_57 = arith.addi %scan3A_55, %scan3A_56 : i32
        %scan3A_58 = arith.constant 1 : i32
        %scan3A_59:2 = scf.for %scan3A_74 = %scan3A_55 to %scan3A_57 step %scan3A_58 iter_args(%scan3A_75 = %broadcast_in_dim3A_3, %scan3A_76 = %broadcast_in_dim3A_3) -> (vector<16xf32>, vector<16xf32>)  : i32 {
          %mul3A_77 = arith.constant 8 : i32
          %mul3A_78 = arith.muli %scan3A_53, %mul3A_77 : i32
          %add3A_79 = arith.addi %mul3A_78, %scan3A_74 : i32
          %get3A = arith.index_cast %add3A_79 : i32 to index
          %get3A_80 = arith.constant 0 : index
          %get3A_81 = tpu.vector_load %arg6[%get3A, %get3A_80] {strides = array<i32>} : memref<64x16xf32, #tpu.memory_space<vmem>>, vector<1x16xf32>,
          %get3A_82 = vector.shape_cast %get3A_81 : vector<1x16xf32> to vector<16xf32>
          %gt3A = arith.cmpf ogt, %get3A_82, %scan3A_75 : vector<16xf32>
          %max3A = arith.maximumf %scan3A_75, %get3A_82 : vector<16xf32>
          %max3A_83 = arith.maximumf %scan3A_76, %get3A_82 : vector<16xf32>
          %select_n3A = arith.select %gt3A, %scan3A_75, %max3A_83 : vector<16xi1>, vector<16xf32>
          scf.yield %max3A, %select_n3A : vector<16xf32>, vector<16xf32>
        }
        %scan3A_60 = arith.constant 8 : i32
        %add3A_61 = arith.addf %scan3A_59#0, %scan3A_59#1 : vector<16xf32>
        %swap3A = arith.index_cast %scan3A_53 : i32 to index
        %swap3A_62 = arith.constant 0 : index
        %swap3A_63 = tpu.vector_load %arg9[%swap3A, %swap3A_62] {strides = array<i32>} : memref<8x16xf32, #tpu.memory_space<vmem>>, vector<1x16xf32>,
        %swap3A_64 = vector.shape_cast %swap3A_63 : vector<1x16xf32> to vector<16xf32>
        %swap3A_65 = vector.shape_cast %add3A_61 : vector<16xf32> to vector<1x16xf32>
        tpu.vector_store %arg9[%swap3A, %swap3A_62], %swap3A_65 {strides = array<i32>} : memref<8x16xf32, #tpu.memory_space<vmem>>, vector<1x16xf32>,
        %broadcast_in_dim3A_66 = arith.constant 0.000000e+00 : f32
        %broadcast_in_dim3A_67 = vector.broadcast %broadcast_in_dim3A_66 : f32 to vector<16xf32>
        %swap3A_68 = arith.index_cast %scan3A_53 : i32 to index
        %swap3A_69 = arith.constant 0 : index
        %swap3A_70 = tpu.vector_load %arg10[%swap3A_68, %swap3A_69] {strides = array<i32>} : memref<8x16xf32, #tpu.memory_space<vmem>>, vector<1x16xf32>,
        %swap3A_71 = vector.shape_cast %swap3A_70 : vector<1x16xf32> to vector<16xf32>
        %swap3A_72 = vector.shape_cast %broadcast_in_dim3A_67 : vector<16xf32> to vector<1x16xf32>
        tpu.vector_store %arg10[%swap3A_68, %swap3A_69], %swap3A_72 {strides = array<i32>} : memref<8x16xf32, #tpu.memory_space<vmem>>, vector<1x16xf32>,
        %scan3A_73 = arith.constant 0 : i32
        scf.yield %scan3A_73 : i32
      }
      %scan3A_11 = arith.constant 8 : i32
      %scan3A_12 = arith.constant 0 : i32
      %scan3A_13 = arith.constant 0 : i32
      %scan3A_14 = arith.constant 4 : i32
      %scan3A_15 = arith.addi %scan3A_13, %scan3A_14 : i32
      %scan3A_16 = arith.constant 1 : i32
      %scan3A_17 = scf.for %scan3A_53 = %scan3A_13 to %scan3A_15 step %scan3A_16 iter_args(%scan3A_54 = %scan3A_12) -> (i32)  : i32 {
        %scan3A_55 = arith.constant 0 : i32
        %scan3A_56 = arith.constant 8 : i32
        %scan3A_57 = arith.addi %scan3A_55, %scan3A_56 : i32
        %scan3A_58 = arith.constant 1 : i32
        %scan3A_59 = scf.for %scan3A_70 = %scan3A_55 to %scan3A_57 step %scan3A_58 iter_args(%scan3A_71 = %broadcast_in_dim3A_3) -> (vector<16xf32>)  : i32 {
          %get3A = arith.index_cast %scan3A_70 : i32 to index
          %get3A_72 = arith.constant 0 : index
          %get3A_73 = tpu.vector_load %arg10[%get3A, %get3A_72] {strides = array<i32>} : memref<8x16xf32, #tpu.memory_space<vmem>>, vector<1x16xf32>,
          %get3A_74 = vector.shape_cast %get3A_73 : vector<1x16xf32> to vector<16xf32>
          %gt3A = arith.constant 0.000000e+00 : f32
          %gt3A_75 = vector.broadcast %gt3A : f32 to vector<16xf32>
          %gt3A_76 = arith.cmpf ogt, %get3A_74, %gt3A_75 : vector<16xf32>
          %get3A_77 = arith.index_cast %scan3A_70 : i32 to index
          %get3A_78 = arith.constant 0 : index
          %get3A_79 = tpu.vector_load %arg9[%get3A_77, %get3A_78] {strides = array<i32>} : memref<8x16xf32, #tpu.memory_space<vmem>>, vector<1x16xf32>,
          %get3A_80 = vector.shape_cast %get3A_79 : vector<1x16xf32> to vector<16xf32>
          %select_n3A = arith.select %gt3A_76, %broadcast_in_dim3A_3, %get3A_80 : vector<16xi1>, vector<16xf32>
          %max3A = arith.maximumf %scan3A_71, %select_n3A : vector<16xf32>
          scf.yield %max3A : vector<16xf32>
        }
        %scan3A_60 = arith.constant 8 : i32
        %broadcast_in_dim3A_61 = arith.constant 0.000000e+00 : f32
        %broadcast_in_dim3A_62 = vector.broadcast %broadcast_in_dim3A_61 : f32 to vector<16xf32>
        %scan3A_63 = arith.constant 0 : i32
        %scan3A_64 = arith.constant 8 : i32
        %scan3A_65 = arith.addi %scan3A_63, %scan3A_64 : i32
        %scan3A_66 = arith.constant 1 : i32
        %scan3A_67 = scf.for %scan3A_70 = %scan3A_63 to %scan3A_65 step %scan3A_66 iter_args(%scan3A_71 = %broadcast_in_dim3A_62) -> (vector<16xf32>)  : i32 {
          %get3A = arith.index_cast %scan3A_70 : i32 to index
          %get3A_72 = arith.constant 0 : index
          %get3A_73 = tpu.vector_load %arg10[%get3A, %get3A_72] {strides = array<i32>} : memref<8x16xf32, #tpu.memory_space<vmem>>, vector<1x16xf32>,
          %get3A_74 = vector.shape_cast %get3A_73 : vector<1x16xf32> to vector<16xf32>
          %gt3A = arith.constant 0.000000e+00 : f32
          %gt3A_75 = vector.broadcast %gt3A : f32 to vector<16xf32>
          %gt3A_76 = arith.cmpf ogt, %get3A_74, %gt3A_75 : vector<16xf32>
          %get3A_77 = arith.index_cast %scan3A_70 : i32 to index
          %get3A_78 = arith.constant 0 : index
          %get3A_79 = tpu.vector_load %arg9[%get3A_77, %get3A_78] {strides = array<i32>} : memref<8x16xf32, #tpu.memory_space<vmem>>, vector<1x16xf32>,
          %get3A_80 = vector.shape_cast %get3A_79 : vector<1x16xf32> to vector<16xf32>
          %select_n3A = arith.select %gt3A_76, %broadcast_in_dim3A_3, %get3A_80 : vector<16xi1>, vector<16xf32>
          %eq3A = arith.cmpf oeq, %select_n3A, %scan3A_59 : vector<16xf32>
          %eq3A_81 = arith.constant 0.000000e+00 : f32
          %eq3A_82 = vector.broadcast %eq3A_81 : f32 to vector<16xf32>
          %eq3A_83 = arith.cmpf oeq, %scan3A_71, %eq3A_82 : vector<16xf32>
          %and3A = arith.andi %eq3A, %eq3A_83 : vector<16xi1>
          %get3A_84 = arith.index_cast %scan3A_70 : i32 to index
          %get3A_85 = arith.constant 0 : index
          %get3A_86 = tpu.vector_load %arg10[%get3A_84, %get3A_85] {strides = array<i32>} : memref<8x16xf32, #tpu.memory_space<vmem>>, vector<1x16xf32>,
          %get3A_87 = vector.shape_cast %get3A_86 : vector<1x16xf32> to vector<16xf32>
          %select_n3A_88 = arith.select %and3A, %broadcast_in_dim3A_5, %get3A_87 : vector<16xi1>, vector<16xf32>
          %swap3A = arith.index_cast %scan3A_70 : i32 to index
          %swap3A_89 = arith.constant 0 : index
          %swap3A_90 = tpu.vector_load %arg10[%swap3A, %swap3A_89] {strides = array<i32>} : memref<8x16xf32, #tpu.memory_space<vmem>>, vector<1x16xf32>,
          %swap3A_91 = vector.shape_cast %swap3A_90 : vector<1x16xf32> to vector<16xf32>
          %swap3A_92 = vector.shape_cast %select_n3A_88 : vector<16xf32> to vector<1x16xf32>
          tpu.vector_store %arg10[%swap3A, %swap3A_89], %swap3A_92 {strides = array<i32>} : memref<8x16xf32, #tpu.memory_space<vmem>>, vector<1x16xf32>,
          %select_n3A_93 = arith.select %and3A, %broadcast_in_dim3A_5, %scan3A_71 : vector<16xi1>, vector<16xf32>
          scf.yield %select_n3A_93 : vector<16xf32>
        }
        %scan3A_68 = arith.constant 8 : i32
        %scan3A_69 = arith.constant 0 : i32
        scf.yield %scan3A_69 : i32
      }
      %scan3A_18 = arith.constant 4 : i32
      %scan3A_19 = arith.constant 0 : i32
      %scan3A_20 = arith.constant 0 : i32
      %scan3A_21 = arith.constant 64 : i32
      %scan3A_22 = arith.addi %scan3A_20, %scan3A_21 : i32
      %scan3A_23 = arith.constant 4 : i32
      %scan3A_24 = scf.for %scan3A_53 = %scan3A_20 to %scan3A_22 step %scan3A_23 iter_args(%scan3A_54 = %scan3A_19) -> (i32)  : i32 {
        %jit3A = arith.constant 8 : i32
        %div3A_55 = arith.divsi %scan3A_53, %jit3A : i32
        %sign3A = arith.constant 0 : i32
        %sign3A_56 = arith.cmpi sgt, %scan3A_53, %sign3A : i32
        %sign3A_57 = arith.extui %sign3A_56 : i1 to i32
        %sign3A_58 = arith.constant 0 : i32
        %sign3A_59 = arith.cmpi slt, %scan3A_53, %sign3A_58 : i32
        %sign3A_60 = arith.extui %sign3A_59 : i1 to i32
        %sign3A_61 = arith.subi %sign3A_57, %sign3A_60 : i32
        %sign3A_62 = arith.constant 0 : i32
        %sign3A_63 = arith.cmpi sgt, %jit3A, %sign3A_62 : i32
        %sign3A_64 = arith.extui %sign3A_63 : i1 to i32
        %sign3A_65 = arith.constant 0 : i32
        %sign3A_66 = arith.cmpi slt, %jit3A, %sign3A_65 : i32
        %sign3A_67 = arith.extui %sign3A_66 : i1 to i32
        %sign3A_68 = arith.subi %sign3A_64, %sign3A_67 : i32
        %ne3A = arith.cmpi ne, %sign3A_61, %sign3A_68 : i32
        %rem3A = arith.remsi %scan3A_53, %jit3A : i32
        %ne3A_69 = arith.constant 0 : i32
        %ne3A_70 = arith.cmpi ne, %rem3A, %ne3A_69 : i32
        %and3A = arith.andi %ne3A, %ne3A_70 : i1
        %sub3A = arith.constant 1 : i32
        %sub3A_71 = arith.subi %div3A_55, %sub3A : i32
        %select_n3A = arith.select %and3A, %sub3A_71, %div3A_55 : i32
        %get3A = arith.index_cast %select_n3A : i32 to index
        %get3A_72 = arith.constant 0 : index
        %get3A_73 = tpu.vector_load %arg10[%get3A, %get3A_72] {strides = array<i32>} : memref<8x16xf32, #tpu.memory_space<vmem>>, vector<1x16xf32>,
        %get3A_74 = vector.shape_cast %get3A_73 : vector<1x16xf32> to vector<16xf32>
        %gt3A = arith.constant 0.000000e+00 : f32
        %gt3A_75 = vector.broadcast %gt3A : f32 to vector<16xf32>
        %gt3A_76 = arith.cmpf ogt, %get3A_74, %gt3A_75 : vector<16xf32>
        %get3A_77 = arith.index_cast %scan3A_53 : i32 to index
        %get3A_78 = arith.constant 0 : index
        %get3A_79 = tpu.vector_load %arg6[%get3A_77, %get3A_78] {strides = array<i32>} : memref<64x16xf32, #tpu.memory_space<vmem>>, vector<1x16xf32>,
        %get3A_80 = vector.shape_cast %get3A_79 : vector<1x16xf32> to vector<16xf32>
        %select_n3A_81 = arith.select %gt3A_76, %get3A_80, %broadcast_in_dim3A_3 : vector<16xi1>, vector<16xf32>
        %swap3A = arith.index_cast %scan3A_53 : i32 to index
        %swap3A_82 = arith.constant 0 : index
        %swap3A_83 = tpu.vector_load %arg7[%swap3A, %swap3A_82] {strides = array<i32>} : memref<64x16xf32, #tpu.memory_space<vmem>>, vector<1x16xf32>,
        %swap3A_84 = vector.shape_cast %swap3A_83 : vector<1x16xf32> to vector<16xf32>
        %swap3A_85 = vector.shape_cast %select_n3A_81 : vector<16xf32> to vector<1x16xf32>
        tpu.vector_store %arg7[%swap3A, %swap3A_82], %swap3A_85 {strides = array<i32>} : memref<64x16xf32, #tpu.memory_space<vmem>>, vector<1x16xf32>,
        %scan3A_86 = arith.constant 0 : i32
        %scan3A_87 = arith.constant 1 : i32
        %scan3A_88 = arith.addi %scan3A_53, %scan3A_87 : i32
        %jit3A_89 = arith.constant 8 : i32
        %div3A_90 = arith.divsi %scan3A_88, %jit3A_89 : i32
        %sign3A_91 = arith.constant 0 : i32
        %sign3A_92 = arith.cmpi sgt, %scan3A_88, %sign3A_91 : i32
        %sign3A_93 = arith.extui %sign3A_92 : i1 to i32
        %sign3A_94 = arith.constant 0 : i32
        %sign3A_95 = arith.cmpi slt, %scan3A_88, %sign3A_94 : i32
        %sign3A_96 = arith.extui %sign3A_95 : i1 to i32
        %sign3A_97 = arith.subi %sign3A_93, %sign3A_96 : i32
        %sign3A_98 = arith.constant 0 : i32
        %sign3A_99 = arith.cmpi sgt, %jit3A_89, %sign3A_98 : i32
        %sign3A_100 = arith.extui %sign3A_99 : i1 to i32
        %sign3A_101 = arith.constant 0 : i32
        %sign3A_102 = arith.cmpi slt, %jit3A_89, %sign3A_101 : i32
        %sign3A_103 = arith.extui %sign3A_102 : i1 to i32
        %sign3A_104 = arith.subi %sign3A_100, %sign3A_103 : i32
        %ne3A_105 = arith.cmpi ne, %sign3A_97, %sign3A_104 : i32
        %rem3A_106 = arith.remsi %scan3A_88, %jit3A_89 : i32
        %ne3A_107 = arith.constant 0 : i32
        %ne3A_108 = arith.cmpi ne, %rem3A_106, %ne3A_107 : i32
        %and3A_109 = arith.andi %ne3A_105, %ne3A_108 : i1
        %sub3A_110 = arith.constant 1 : i32
        %sub3A_111 = arith.subi %div3A_90, %sub3A_110 : i32
        %select_n3A_112 = arith.select %and3A_109, %sub3A_111, %div3A_90 : i32
        %get3A_113 = arith.index_cast %select_n3A_112 : i32 to index
        %get3A_114 = arith.constant 0 : index
        %get3A_115 = tpu.vector_load %arg10[%get3A_113, %get3A_114] {strides = array<i32>} : memref<8x16xf32, #tpu.memory_space<vmem>>, vector<1x16xf32>,
        %get3A_116 = vector.shape_cast %get3A_115 : vector<1x16xf32> to vector<16xf32>
        %gt3A_117 = arith.constant 0.000000e+00 : f32
        %gt3A_118 = vector.broadcast %gt3A_117 : f32 to vector<16xf32>
        %gt3A_119 = arith.cmpf ogt, %get3A_116, %gt3A_118 : vector<16xf32>
        %get3A_120 = arith.index_cast %scan3A_88 : i32 to index
        %get3A_121 = arith.constant 0 : index
        %get3A_122 = tpu.vector_load %arg6[%get3A_120, %get3A_121] {strides = array<i32>} : memref<64x16xf32, #tpu.memory_space<vmem>>, vector<1x16xf32>,
        %get3A_123 = vector.shape_cast %get3A_122 : vector<1x16xf32> to vector<16xf32>
        %select_n3A_124 = arith.select %gt3A_119, %get3A_123, %broadcast_in_dim3A_3 : vector<16xi1>, vector<16xf32>
        %swap3A_125 = arith.index_cast %scan3A_88 : i32 to index
        %swap3A_126 = arith.constant 0 : index
        %swap3A_127 = tpu.vector_load %arg7[%swap3A_125, %swap3A_126] {strides = array<i32>} : memref<64x16xf32, #tpu.memory_space<vmem>>, vector<1x16xf32>,
        %swap3A_128 = vector.shape_cast %swap3A_127 : vector<1x16xf32> to vector<16xf32>
        %swap3A_129 = vector.shape_cast %select_n3A_124 : vector<16xf32> to vector<1x16xf32>
        tpu.vector_store %arg7[%swap3A_125, %swap3A_126], %swap3A_129 {strides = array<i32>} : memref<64x16xf32, #tpu.memory_space<vmem>>, vector<1x16xf32>,
        %scan3A_130 = arith.constant 0 : i32
        %scan3A_131 = arith.constant 2 : i32
        %scan3A_132 = arith.addi %scan3A_53, %scan3A_131 : i32
        %jit3A_133 = arith.constant 8 : i32
        %div3A_134 = arith.divsi %scan3A_132, %jit3A_133 : i32
        %sign3A_135 = arith.constant 0 : i32
        %sign3A_136 = arith.cmpi sgt, %scan3A_132, %sign3A_135 : i32
        %sign3A_137 = arith.extui %sign3A_136 : i1 to i32
        %sign3A_138 = arith.constant 0 : i32
        %sign3A_139 = arith.cmpi slt, %scan3A_132, %sign3A_138 : i32
        %sign3A_140 = arith.extui %sign3A_139 : i1 to i32
        %sign3A_141 = arith.subi %sign3A_137, %sign3A_140 : i32
        %sign3A_142 = arith.constant 0 : i32
        %sign3A_143 = arith.cmpi sgt, %jit3A_133, %sign3A_142 : i32
        %sign3A_144 = arith.extui %sign3A_143 : i1 to i32
        %sign3A_145 = arith.constant 0 : i32
        %sign3A_146 = arith.cmpi slt, %jit3A_133, %sign3A_145 : i32
        %sign3A_147 = arith.extui %sign3A_146 : i1 to i32
        %sign3A_148 = arith.subi %sign3A_144, %sign3A_147 : i32
        %ne3A_149 = arith.cmpi ne, %sign3A_141, %sign3A_148 : i32
        %rem3A_150 = arith.remsi %scan3A_132, %jit3A_133 : i32
        %ne3A_151 = arith.constant 0 : i32
        %ne3A_152 = arith.cmpi ne, %rem3A_150, %ne3A_151 : i32
        %and3A_153 = arith.andi %ne3A_149, %ne3A_152 : i1
        %sub3A_154 = arith.constant 1 : i32
        %sub3A_155 = arith.subi %div3A_134, %sub3A_154 : i32
        %select_n3A_156 = arith.select %and3A_153, %sub3A_155, %div3A_134 : i32
        %get3A_157 = arith.index_cast %select_n3A_156 : i32 to index
        %get3A_158 = arith.constant 0 : index
        %get3A_159 = tpu.vector_load %arg10[%get3A_157, %get3A_158] {strides = array<i32>} : memref<8x16xf32, #tpu.memory_space<vmem>>, vector<1x16xf32>,
        %get3A_160 = vector.shape_cast %get3A_159 : vector<1x16xf32> to vector<16xf32>
        %gt3A_161 = arith.constant 0.000000e+00 : f32
        %gt3A_162 = vector.broadcast %gt3A_161 : f32 to vector<16xf32>
        %gt3A_163 = arith.cmpf ogt, %get3A_160, %gt3A_162 : vector<16xf32>
        %get3A_164 = arith.index_cast %scan3A_132 : i32 to index
        %get3A_165 = arith.constant 0 : index
        %get3A_166 = tpu.vector_load %arg6[%get3A_164, %get3A_165] {strides = array<i32>} : memref<64x16xf32, #tpu.memory_space<vmem>>, vector<1x16xf32>,
        %get3A_167 = vector.shape_cast %get3A_166 : vector<1x16xf32> to vector<16xf32>
        %select_n3A_168 = arith.select %gt3A_163, %get3A_167, %broadcast_in_dim3A_3 : vector<16xi1>, vector<16xf32>
        %swap3A_169 = arith.index_cast %scan3A_132 : i32 to index
        %swap3A_170 = arith.constant 0 : index
        %swap3A_171 = tpu.vector_load %arg7[%swap3A_169, %swap3A_170] {strides = array<i32>} : memref<64x16xf32, #tpu.memory_space<vmem>>, vector<1x16xf32>,
        %swap3A_172 = vector.shape_cast %swap3A_171 : vector<1x16xf32> to vector<16xf32>
        %swap3A_173 = vector.shape_cast %select_n3A_168 : vector<16xf32> to vector<1x16xf32>
        tpu.vector_store %arg7[%swap3A_169, %swap3A_170], %swap3A_173 {strides = array<i32>} : memref<64x16xf32, #tpu.memory_space<vmem>>, vector<1x16xf32>,
        %scan3A_174 = arith.constant 0 : i32
        %scan3A_175 = arith.constant 3 : i32
        %scan3A_176 = arith.addi %scan3A_53, %scan3A_175 : i32
        %jit3A_177 = arith.constant 8 : i32
        %div3A_178 = arith.divsi %scan3A_176, %jit3A_177 : i32
        %sign3A_179 = arith.constant 0 : i32
        %sign3A_180 = arith.cmpi sgt, %scan3A_176, %sign3A_179 : i32
        %sign3A_181 = arith.extui %sign3A_180 : i1 to i32
        %sign3A_182 = arith.constant 0 : i32
        %sign3A_183 = arith.cmpi slt, %scan3A_176, %sign3A_182 : i32
        %sign3A_184 = arith.extui %sign3A_183 : i1 to i32
        %sign3A_185 = arith.subi %sign3A_181, %sign3A_184 : i32
        %sign3A_186 = arith.constant 0 : i32
        %sign3A_187 = arith.cmpi sgt, %jit3A_177, %sign3A_186 : i32
        %sign3A_188 = arith.extui %sign3A_187 : i1 to i32
        %sign3A_189 = arith.constant 0 : i32
        %sign3A_190 = arith.cmpi slt, %jit3A_177, %sign3A_189 : i32
        %sign3A_191 = arith.extui %sign3A_190 : i1 to i32
        %sign3A_192 = arith.subi %sign3A_188, %sign3A_191 : i32
        %ne3A_193 = arith.cmpi ne, %sign3A_185, %sign3A_192 : i32
        %rem3A_194 = arith.remsi %scan3A_176, %jit3A_177 : i32
        %ne3A_195 = arith.constant 0 : i32
        %ne3A_196 = arith.cmpi ne, %rem3A_194, %ne3A_195 : i32
        %and3A_197 = arith.andi %ne3A_193, %ne3A_196 : i1
        %sub3A_198 = arith.constant 1 : i32
        %sub3A_199 = arith.subi %div3A_178, %sub3A_198 : i32
        %select_n3A_200 = arith.select %and3A_197, %sub3A_199, %div3A_178 : i32
        %get3A_201 = arith.index_cast %select_n3A_200 : i32 to index
        %get3A_202 = arith.constant 0 : index
        %get3A_203 = tpu.vector_load %arg10[%get3A_201, %get3A_202] {strides = array<i32>} : memref<8x16xf32, #tpu.memory_space<vmem>>, vector<1x16xf32>,
        %get3A_204 = vector.shape_cast %get3A_203 : vector<1x16xf32> to vector<16xf32>
        %gt3A_205 = arith.constant 0.000000e+00 : f32
        %gt3A_206 = vector.broadcast %gt3A_205 : f32 to vector<16xf32>
        %gt3A_207 = arith.cmpf ogt, %get3A_204, %gt3A_206 : vector<16xf32>
        %get3A_208 = arith.index_cast %scan3A_176 : i32 to index
        %get3A_209 = arith.constant 0 : index
        %get3A_210 = tpu.vector_load %arg6[%get3A_208, %get3A_209] {strides = array<i32>} : memref<64x16xf32, #tpu.memory_space<vmem>>, vector<1x16xf32>,
        %get3A_211 = vector.shape_cast %get3A_210 : vector<1x16xf32> to vector<16xf32>
        %select_n3A_212 = arith.select %gt3A_207, %get3A_211, %broadcast_in_dim3A_3 : vector<16xi1>, vector<16xf32>
        %swap3A_213 = arith.index_cast %scan3A_176 : i32 to index
        %swap3A_214 = arith.constant 0 : index
        %swap3A_215 = tpu.vector_load %arg7[%swap3A_213, %swap3A_214] {strides = array<i32>} : memref<64x16xf32, #tpu.memory_space<vmem>>, vector<1x16xf32>,
        %swap3A_216 = vector.shape_cast %swap3A_215 : vector<1x16xf32> to vector<16xf32>
        %swap3A_217 = vector.shape_cast %select_n3A_212 : vector<16xf32> to vector<1x16xf32>
        tpu.vector_store %arg7[%swap3A_213, %swap3A_214], %swap3A_217 {strides = array<i32>} : memref<64x16xf32, #tpu.memory_space<vmem>>, vector<1x16xf32>,
        %scan3A_218 = arith.constant 0 : i32
        scf.yield %scan3A_218 : i32
      }
      %scan3A_25 = arith.constant 64 : i32
      %scan3A_26 = arith.constant 0 : i32
      %scan3A_27 = arith.constant 0 : i32
      %scan3A_28 = arith.constant 8 : i32
      %scan3A_29 = arith.addi %scan3A_27, %scan3A_28 : i32
      %scan3A_30 = arith.constant 1 : i32
      %scan3A_31 = scf.for %scan3A_53 = %scan3A_27 to %scan3A_29 step %scan3A_30 iter_args(%scan3A_54 = %scan3A_26) -> (i32)  : i32 {
        %scan3A_55 = arith.constant 0 : i32
        %scan3A_56 = arith.constant 64 : i32
        %scan3A_57 = arith.addi %scan3A_55, %scan3A_56 : i32
        %scan3A_58 = arith.constant 8 : i32
        %scan3A_59 = scf.for %scan3A_70 = %scan3A_55 to %scan3A_57 step %scan3A_58 iter_args(%scan3A_71 = %broadcast_in_dim3A_3) -> (vector<16xf32>)  : i32 {
          %get3A = arith.index_cast %scan3A_70 : i32 to index
          %get3A_72 = arith.constant 0 : index
          %get3A_73 = tpu.vector_load %arg7[%get3A, %get3A_72] {strides = array<i32>} : memref<64x16xf32, #tpu.memory_space<vmem>>, vector<1x16xf32>,
          %get3A_74 = vector.shape_cast %get3A_73 : vector<1x16xf32> to vector<16xf32>
          %max3A = arith.maximumf %scan3A_71, %get3A_74 : vector<16xf32>
          %scan3A_75 = arith.constant 1 : i32
          %scan3A_76 = arith.addi %scan3A_70, %scan3A_75 : i32
          %get3A_77 = arith.index_cast %scan3A_76 : i32 to index
          %get3A_78 = arith.constant 0 : index
          %get3A_79 = tpu.vector_load %arg7[%get3A_77, %get3A_78] {strides = array<i32>} : memref<64x16xf32, #tpu.memory_space<vmem>>, vector<1x16xf32>,
          %get3A_80 = vector.shape_cast %get3A_79 : vector<1x16xf32> to vector<16xf32>
          %max3A_81 = arith.maximumf %max3A, %get3A_80 : vector<16xf32>
          %scan3A_82 = arith.constant 2 : i32
          %scan3A_83 = arith.addi %scan3A_70, %scan3A_82 : i32
          %get3A_84 = arith.index_cast %scan3A_83 : i32 to index
          %get3A_85 = arith.constant 0 : index
          %get3A_86 = tpu.vector_load %arg7[%get3A_84, %get3A_85] {strides = array<i32>} : memref<64x16xf32, #tpu.memory_space<vmem>>, vector<1x16xf32>,
          %get3A_87 = vector.shape_cast %get3A_86 : vector<1x16xf32> to vector<16xf32>
          %max3A_88 = arith.maximumf %max3A_81, %get3A_87 : vector<16xf32>
          %scan3A_89 = arith.constant 3 : i32
          %scan3A_90 = arith.addi %scan3A_70, %scan3A_89 : i32
          %get3A_91 = arith.index_cast %scan3A_90 : i32 to index
          %get3A_92 = arith.constant 0 : index
          %get3A_93 = tpu.vector_load %arg7[%get3A_91, %get3A_92] {strides = array<i32>} : memref<64x16xf32, #tpu.memory_space<vmem>>, vector<1x16xf32>,
          %get3A_94 = vector.shape_cast %get3A_93 : vector<1x16xf32> to vector<16xf32>
          %max3A_95 = arith.maximumf %max3A_88, %get3A_94 : vector<16xf32>
          %scan3A_96 = arith.constant 4 : i32
          %scan3A_97 = arith.addi %scan3A_70, %scan3A_96 : i32
          %get3A_98 = arith.index_cast %scan3A_97 : i32 to index
          %get3A_99 = arith.constant 0 : index
          %get3A_100 = tpu.vector_load %arg7[%get3A_98, %get3A_99] {strides = array<i32>} : memref<64x16xf32, #tpu.memory_space<vmem>>, vector<1x16xf32>,
          %get3A_101 = vector.shape_cast %get3A_100 : vector<1x16xf32> to vector<16xf32>
          %max3A_102 = arith.maximumf %max3A_95, %get3A_101 : vector<16xf32>
          %scan3A_103 = arith.constant 5 : i32
          %scan3A_104 = arith.addi %scan3A_70, %scan3A_103 : i32
          %get3A_105 = arith.index_cast %scan3A_104 : i32 to index
          %get3A_106 = arith.constant 0 : index
          %get3A_107 = tpu.vector_load %arg7[%get3A_105, %get3A_106] {strides = array<i32>} : memref<64x16xf32, #tpu.memory_space<vmem>>, vector<1x16xf32>,
          %get3A_108 = vector.shape_cast %get3A_107 : vector<1x16xf32> to vector<16xf32>
          %max3A_109 = arith.maximumf %max3A_102, %get3A_108 : vector<16xf32>
          %scan3A_110 = arith.constant 6 : i32
          %scan3A_111 = arith.addi %scan3A_70, %scan3A_110 : i32
          %get3A_112 = arith.index_cast %scan3A_111 : i32 to index
          %get3A_113 = arith.constant 0 : index
          %get3A_114 = tpu.vector_load %arg7[%get3A_112, %get3A_113] {strides = array<i32>} : memref<64x16xf32, #tpu.memory_space<vmem>>, vector<1x16xf32>,
          %get3A_115 = vector.shape_cast %get3A_114 : vector<1x16xf32> to vector<16xf32>
          %max3A_116 = arith.maximumf %max3A_109, %get3A_115 : vector<16xf32>
          %scan3A_117 = arith.constant 7 : i32
          %scan3A_118 = arith.addi %scan3A_70, %scan3A_117 : i32
          %get3A_119 = arith.index_cast %scan3A_118 : i32 to index
          %get3A_120 = arith.constant 0 : index
          %get3A_121 = tpu.vector_load %arg7[%get3A_119, %get3A_120] {strides = array<i32>} : memref<64x16xf32, #tpu.memory_space<vmem>>, vector<1x16xf32>,
          %get3A_122 = vector.shape_cast %get3A_121 : vector<1x16xf32> to vector<16xf32>
          %max3A_123 = arith.maximumf %max3A_116, %get3A_122 : vector<16xf32>
          scf.yield %max3A_123 : vector<16xf32>
        }
        %scan3A_60 = arith.constant 64 : i32
        %broadcast_in_dim3A_61 = arith.constant 0.000000e+00 : f32
        %broadcast_in_dim3A_62 = vector.broadcast %broadcast_in_dim3A_61 : f32 to vector<16xf32>
        %scan3A_63 = arith.constant 0 : i32
        %scan3A_64 = arith.constant 64 : i32
        %scan3A_65 = arith.addi %scan3A_63, %scan3A_64 : i32
        %scan3A_66 = arith.constant 8 : i32
        %scan3A_67 = scf.for %scan3A_70 = %scan3A_63 to %scan3A_65 step %scan3A_66 iter_args(%scan3A_71 = %broadcast_in_dim3A_62) -> (vector<16xf32>)  : i32 {
          %get3A = arith.index_cast %scan3A_70 : i32 to index
          %get3A_72 = arith.constant 0 : index
          %get3A_73 = tpu.vector_load %arg7[%get3A, %get3A_72] {strides = array<i32>} : memref<64x16xf32, #tpu.memory_space<vmem>>, vector<1x16xf32>,
          %get3A_74 = vector.shape_cast %get3A_73 : vector<1x16xf32> to vector<16xf32>
          %eq3A = arith.cmpf oeq, %get3A_74, %scan3A_59 : vector<16xf32>
          %eq3A_75 = arith.constant 0.000000e+00 : f32
          %eq3A_76 = vector.broadcast %eq3A_75 : f32 to vector<16xf32>
          %eq3A_77 = arith.cmpf oeq, %scan3A_71, %eq3A_76 : vector<16xf32>
          %and3A = arith.andi %eq3A, %eq3A_77 : vector<16xi1>
          %select_n3A = arith.select %and3A, %broadcast_in_dim3A_3, %get3A_74 : vector<16xi1>, vector<16xf32>
          %swap3A = arith.index_cast %scan3A_70 : i32 to index
          %swap3A_78 = arith.constant 0 : index
          %swap3A_79 = tpu.vector_load %arg7[%swap3A, %swap3A_78] {strides = array<i32>} : memref<64x16xf32, #tpu.memory_space<vmem>>, vector<1x16xf32>,
          %swap3A_80 = vector.shape_cast %swap3A_79 : vector<1x16xf32> to vector<16xf32>
          %swap3A_81 = vector.shape_cast %select_n3A : vector<16xf32> to vector<1x16xf32>
          tpu.vector_store %arg7[%swap3A, %swap3A_78], %swap3A_81 {strides = array<i32>} : memref<64x16xf32, #tpu.memory_space<vmem>>, vector<1x16xf32>,
          %select_n3A_82 = arith.select %and3A, %broadcast_in_dim3A_5, %scan3A_71 : vector<16xi1>, vector<16xf32>
          %scan3A_83 = arith.constant 1 : i32
          %scan3A_84 = arith.addi %scan3A_70, %scan3A_83 : i32
          %get3A_85 = arith.index_cast %scan3A_84 : i32 to index
          %get3A_86 = arith.constant 0 : index
          %get3A_87 = tpu.vector_load %arg7[%get3A_85, %get3A_86] {strides = array<i32>} : memref<64x16xf32, #tpu.memory_space<vmem>>, vector<1x16xf32>,
          %get3A_88 = vector.shape_cast %get3A_87 : vector<1x16xf32> to vector<16xf32>
          %eq3A_89 = arith.cmpf oeq, %get3A_88, %scan3A_59 : vector<16xf32>
          %eq3A_90 = arith.constant 0.000000e+00 : f32
          %eq3A_91 = vector.broadcast %eq3A_90 : f32 to vector<16xf32>
          %eq3A_92 = arith.cmpf oeq, %select_n3A_82, %eq3A_91 : vector<16xf32>
          %and3A_93 = arith.andi %eq3A_89, %eq3A_92 : vector<16xi1>
          %select_n3A_94 = arith.select %and3A_93, %broadcast_in_dim3A_3, %get3A_88 : vector<16xi1>, vector<16xf32>
          %swap3A_95 = arith.index_cast %scan3A_84 : i32 to index
          %swap3A_96 = arith.constant 0 : index
          %swap3A_97 = tpu.vector_load %arg7[%swap3A_95, %swap3A_96] {strides = array<i32>} : memref<64x16xf32, #tpu.memory_space<vmem>>, vector<1x16xf32>,
          %swap3A_98 = vector.shape_cast %swap3A_97 : vector<1x16xf32> to vector<16xf32>
          %swap3A_99 = vector.shape_cast %select_n3A_94 : vector<16xf32> to vector<1x16xf32>
          tpu.vector_store %arg7[%swap3A_95, %swap3A_96], %swap3A_99 {strides = array<i32>} : memref<64x16xf32, #tpu.memory_space<vmem>>, vector<1x16xf32>,
          %select_n3A_100 = arith.select %and3A_93, %broadcast_in_dim3A_5, %select_n3A_82 : vector<16xi1>, vector<16xf32>
          %scan3A_101 = arith.constant 2 : i32
          %scan3A_102 = arith.addi %scan3A_70, %scan3A_101 : i32
          %get3A_103 = arith.index_cast %scan3A_102 : i32 to index
          %get3A_104 = arith.constant 0 : index
          %get3A_105 = tpu.vector_load %arg7[%get3A_103, %get3A_104] {strides = array<i32>} : memref<64x16xf32, #tpu.memory_space<vmem>>, vector<1x16xf32>,
          %get3A_106 = vector.shape_cast %get3A_105 : vector<1x16xf32> to vector<16xf32>
          %eq3A_107 = arith.cmpf oeq, %get3A_106, %scan3A_59 : vector<16xf32>
          %eq3A_108 = arith.constant 0.000000e+00 : f32
          %eq3A_109 = vector.broadcast %eq3A_108 : f32 to vector<16xf32>
          %eq3A_110 = arith.cmpf oeq, %select_n3A_100, %eq3A_109 : vector<16xf32>
          %and3A_111 = arith.andi %eq3A_107, %eq3A_110 : vector<16xi1>
          %select_n3A_112 = arith.select %and3A_111, %broadcast_in_dim3A_3, %get3A_106 : vector<16xi1>, vector<16xf32>
          %swap3A_113 = arith.index_cast %scan3A_102 : i32 to index
          %swap3A_114 = arith.constant 0 : index
          %swap3A_115 = tpu.vector_load %arg7[%swap3A_113, %swap3A_114] {strides = array<i32>} : memref<64x16xf32, #tpu.memory_space<vmem>>, vector<1x16xf32>,
          %swap3A_116 = vector.shape_cast %swap3A_115 : vector<1x16xf32> to vector<16xf32>
          %swap3A_117 = vector.shape_cast %select_n3A_112 : vector<16xf32> to vector<1x16xf32>
          tpu.vector_store %arg7[%swap3A_113, %swap3A_114], %swap3A_117 {strides = array<i32>} : memref<64x16xf32, #tpu.memory_space<vmem>>, vector<1x16xf32>,
          %select_n3A_118 = arith.select %and3A_111, %broadcast_in_dim3A_5, %select_n3A_100 : vector<16xi1>, vector<16xf32>
          %scan3A_119 = arith.constant 3 : i32
          %scan3A_120 = arith.addi %scan3A_70, %scan3A_119 : i32
          %get3A_121 = arith.index_cast %scan3A_120 : i32 to index
          %get3A_122 = arith.constant 0 : index
          %get3A_123 = tpu.vector_load %arg7[%get3A_121, %get3A_122] {strides = array<i32>} : memref<64x16xf32, #tpu.memory_space<vmem>>, vector<1x16xf32>,
          %get3A_124 = vector.shape_cast %get3A_123 : vector<1x16xf32> to vector<16xf32>
          %eq3A_125 = arith.cmpf oeq, %get3A_124, %scan3A_59 : vector<16xf32>
          %eq3A_126 = arith.constant 0.000000e+00 : f32
          %eq3A_127 = vector.broadcast %eq3A_126 : f32 to vector<16xf32>
          %eq3A_128 = arith.cmpf oeq, %select_n3A_118, %eq3A_127 : vector<16xf32>
          %and3A_129 = arith.andi %eq3A_125, %eq3A_128 : vector<16xi1>
          %select_n3A_130 = arith.select %and3A_129, %broadcast_in_dim3A_3, %get3A_124 : vector<16xi1>, vector<16xf32>
          %swap3A_131 = arith.index_cast %scan3A_120 : i32 to index
          %swap3A_132 = arith.constant 0 : index
          %swap3A_133 = tpu.vector_load %arg7[%swap3A_131, %swap3A_132] {strides = array<i32>} : memref<64x16xf32, #tpu.memory_space<vmem>>, vector<1x16xf32>,
          %swap3A_134 = vector.shape_cast %swap3A_133 : vector<1x16xf32> to vector<16xf32>
          %swap3A_135 = vector.shape_cast %select_n3A_130 : vector<16xf32> to vector<1x16xf32>
          tpu.vector_store %arg7[%swap3A_131, %swap3A_132], %swap3A_135 {strides = array<i32>} : memref<64x16xf32, #tpu.memory_space<vmem>>, vector<1x16xf32>,
          %select_n3A_136 = arith.select %and3A_129, %broadcast_in_dim3A_5, %select_n3A_118 : vector<16xi1>, vector<16xf32>
          %scan3A_137 = arith.constant 4 : i32
          %scan3A_138 = arith.addi %scan3A_70, %scan3A_137 : i32
          %get3A_139 = arith.index_cast %scan3A_138 : i32 to index
          %get3A_140 = arith.constant 0 : index
          %get3A_141 = tpu.vector_load %arg7[%get3A_139, %get3A_140] {strides = array<i32>} : memref<64x16xf32, #tpu.memory_space<vmem>>, vector<1x16xf32>,
          %get3A_142 = vector.shape_cast %get3A_141 : vector<1x16xf32> to vector<16xf32>
          %eq3A_143 = arith.cmpf oeq, %get3A_142, %scan3A_59 : vector<16xf32>
          %eq3A_144 = arith.constant 0.000000e+00 : f32
          %eq3A_145 = vector.broadcast %eq3A_144 : f32 to vector<16xf32>
          %eq3A_146 = arith.cmpf oeq, %select_n3A_136, %eq3A_145 : vector<16xf32>
          %and3A_147 = arith.andi %eq3A_143, %eq3A_146 : vector<16xi1>
          %select_n3A_148 = arith.select %and3A_147, %broadcast_in_dim3A_3, %get3A_142 : vector<16xi1>, vector<16xf32>
          %swap3A_149 = arith.index_cast %scan3A_138 : i32 to index
          %swap3A_150 = arith.constant 0 : index
          %swap3A_151 = tpu.vector_load %arg7[%swap3A_149, %swap3A_150] {strides = array<i32>} : memref<64x16xf32, #tpu.memory_space<vmem>>, vector<1x16xf32>,
          %swap3A_152 = vector.shape_cast %swap3A_151 : vector<1x16xf32> to vector<16xf32>
          %swap3A_153 = vector.shape_cast %select_n3A_148 : vector<16xf32> to vector<1x16xf32>
          tpu.vector_store %arg7[%swap3A_149, %swap3A_150], %swap3A_153 {strides = array<i32>} : memref<64x16xf32, #tpu.memory_space<vmem>>, vector<1x16xf32>,
          %select_n3A_154 = arith.select %and3A_147, %broadcast_in_dim3A_5, %select_n3A_136 : vector<16xi1>, vector<16xf32>
          %scan3A_155 = arith.constant 5 : i32
          %scan3A_156 = arith.addi %scan3A_70, %scan3A_155 : i32
          %get3A_157 = arith.index_cast %scan3A_156 : i32 to index
          %get3A_158 = arith.constant 0 : index
          %get3A_159 = tpu.vector_load %arg7[%get3A_157, %get3A_158] {strides = array<i32>} : memref<64x16xf32, #tpu.memory_space<vmem>>, vector<1x16xf32>,
          %get3A_160 = vector.shape_cast %get3A_159 : vector<1x16xf32> to vector<16xf32>
          %eq3A_161 = arith.cmpf oeq, %get3A_160, %scan3A_59 : vector<16xf32>
          %eq3A_162 = arith.constant 0.000000e+00 : f32
          %eq3A_163 = vector.broadcast %eq3A_162 : f32 to vector<16xf32>
          %eq3A_164 = arith.cmpf oeq, %select_n3A_154, %eq3A_163 : vector<16xf32>
          %and3A_165 = arith.andi %eq3A_161, %eq3A_164 : vector<16xi1>
          %select_n3A_166 = arith.select %and3A_165, %broadcast_in_dim3A_3, %get3A_160 : vector<16xi1>, vector<16xf32>
          %swap3A_167 = arith.index_cast %scan3A_156 : i32 to index
          %swap3A_168 = arith.constant 0 : index
          %swap3A_169 = tpu.vector_load %arg7[%swap3A_167, %swap3A_168] {strides = array<i32>} : memref<64x16xf32, #tpu.memory_space<vmem>>, vector<1x16xf32>,
          %swap3A_170 = vector.shape_cast %swap3A_169 : vector<1x16xf32> to vector<16xf32>
          %swap3A_171 = vector.shape_cast %select_n3A_166 : vector<16xf32> to vector<1x16xf32>
          tpu.vector_store %arg7[%swap3A_167, %swap3A_168], %swap3A_171 {strides = array<i32>} : memref<64x16xf32, #tpu.memory_space<vmem>>, vector<1x16xf32>,
          %select_n3A_172 = arith.select %and3A_165, %broadcast_in_dim3A_5, %select_n3A_154 : vector<16xi1>, vector<16xf32>
          %scan3A_173 = arith.constant 6 : i32
          %scan3A_174 = arith.addi %scan3A_70, %scan3A_173 : i32
          %get3A_175 = arith.index_cast %scan3A_174 : i32 to index
          %get3A_176 = arith.constant 0 : index
          %get3A_177 = tpu.vector_load %arg7[%get3A_175, %get3A_176] {strides = array<i32>} : memref<64x16xf32, #tpu.memory_space<vmem>>, vector<1x16xf32>,
          %get3A_178 = vector.shape_cast %get3A_177 : vector<1x16xf32> to vector<16xf32>
          %eq3A_179 = arith.cmpf oeq, %get3A_178, %scan3A_59 : vector<16xf32>
          %eq3A_180 = arith.constant 0.000000e+00 : f32
          %eq3A_181 = vector.broadcast %eq3A_180 : f32 to vector<16xf32>
          %eq3A_182 = arith.cmpf oeq, %select_n3A_172, %eq3A_181 : vector<16xf32>
          %and3A_183 = arith.andi %eq3A_179, %eq3A_182 : vector<16xi1>
          %select_n3A_184 = arith.select %and3A_183, %broadcast_in_dim3A_3, %get3A_178 : vector<16xi1>, vector<16xf32>
          %swap3A_185 = arith.index_cast %scan3A_174 : i32 to index
          %swap3A_186 = arith.constant 0 : index
          %swap3A_187 = tpu.vector_load %arg7[%swap3A_185, %swap3A_186] {strides = array<i32>} : memref<64x16xf32, #tpu.memory_space<vmem>>, vector<1x16xf32>,
          %swap3A_188 = vector.shape_cast %swap3A_187 : vector<1x16xf32> to vector<16xf32>
          %swap3A_189 = vector.shape_cast %select_n3A_184 : vector<16xf32> to vector<1x16xf32>
          tpu.vector_store %arg7[%swap3A_185, %swap3A_186], %swap3A_189 {strides = array<i32>} : memref<64x16xf32, #tpu.memory_space<vmem>>, vector<1x16xf32>,
          %select_n3A_190 = arith.select %and3A_183, %broadcast_in_dim3A_5, %select_n3A_172 : vector<16xi1>, vector<16xf32>
          %scan3A_191 = arith.constant 7 : i32
          %scan3A_192 = arith.addi %scan3A_70, %scan3A_191 : i32
          %get3A_193 = arith.index_cast %scan3A_192 : i32 to index
          %get3A_194 = arith.constant 0 : index
          %get3A_195 = tpu.vector_load %arg7[%get3A_193, %get3A_194] {strides = array<i32>} : memref<64x16xf32, #tpu.memory_space<vmem>>, vector<1x16xf32>,
          %get3A_196 = vector.shape_cast %get3A_195 : vector<1x16xf32> to vector<16xf32>
          %eq3A_197 = arith.cmpf oeq, %get3A_196, %scan3A_59 : vector<16xf32>
          %eq3A_198 = arith.constant 0.000000e+00 : f32
          %eq3A_199 = vector.broadcast %eq3A_198 : f32 to vector<16xf32>
          %eq3A_200 = arith.cmpf oeq, %select_n3A_190, %eq3A_199 : vector<16xf32>
          %and3A_201 = arith.andi %eq3A_197, %eq3A_200 : vector<16xi1>
          %select_n3A_202 = arith.select %and3A_201, %broadcast_in_dim3A_3, %get3A_196 : vector<16xi1>, vector<16xf32>
          %swap3A_203 = arith.index_cast %scan3A_192 : i32 to index
          %swap3A_204 = arith.constant 0 : index
          %swap3A_205 = tpu.vector_load %arg7[%swap3A_203, %swap3A_204] {strides = array<i32>} : memref<64x16xf32, #tpu.memory_space<vmem>>, vector<1x16xf32>,
          %swap3A_206 = vector.shape_cast %swap3A_205 : vector<1x16xf32> to vector<16xf32>
          %swap3A_207 = vector.shape_cast %select_n3A_202 : vector<16xf32> to vector<1x16xf32>
          tpu.vector_store %arg7[%swap3A_203, %swap3A_204], %swap3A_207 {strides = array<i32>} : memref<64x16xf32, #tpu.memory_space<vmem>>, vector<1x16xf32>,
          %select_n3A_208 = arith.select %and3A_201, %broadcast_in_dim3A_5, %select_n3A_190 : vector<16xi1>, vector<16xf32>
          scf.yield %select_n3A_208 : vector<16xf32>
        }
        %scan3A_68 = arith.constant 64 : i32
        %scan3A_69 = arith.constant 0 : i32
        scf.yield %scan3A_69 : i32
      }
      %scan3A_32 = arith.constant 8 : i32
      %broadcast_in_dim3A_33 = arith.constant 0.000000e+00 : f32
      %broadcast_in_dim3A_34 = vector.broadcast %broadcast_in_dim3A_33 : f32 to vector<16xf32>
      %scan3A_35 = arith.constant 0 : i32
      %scan3A_36 = arith.constant 64 : i32
      %scan3A_37 = arith.addi %scan3A_35, %scan3A_36 : i32
      %scan3A_38 = arith.constant 4 : i32
      %scan3A_39 = scf.for %scan3A_53 = %scan3A_35 to %scan3A_37 step %scan3A_38 iter_args(%scan3A_54 = %broadcast_in_dim3A_34) -> (vector<16xf32>)  : i32 {
        %jit3A = arith.constant 8 : i32
        %div3A_55 = arith.divsi %scan3A_53, %jit3A : i32
        %sign3A = arith.constant 0 : i32
        %sign3A_56 = arith.cmpi sgt, %scan3A_53, %sign3A : i32
        %sign3A_57 = arith.extui %sign3A_56 : i1 to i32
        %sign3A_58 = arith.constant 0 : i32
        %sign3A_59 = arith.cmpi slt, %scan3A_53, %sign3A_58 : i32
        %sign3A_60 = arith.extui %sign3A_59 : i1 to i32
        %sign3A_61 = arith.subi %sign3A_57, %sign3A_60 : i32
        %sign3A_62 = arith.constant 0 : i32
        %sign3A_63 = arith.cmpi sgt, %jit3A, %sign3A_62 : i32
        %sign3A_64 = arith.extui %sign3A_63 : i1 to i32
        %sign3A_65 = arith.constant 0 : i32
        %sign3A_66 = arith.cmpi slt, %jit3A, %sign3A_65 : i32
        %sign3A_67 = arith.extui %sign3A_66 : i1 to i32
        %sign3A_68 = arith.subi %sign3A_64, %sign3A_67 : i32
        %ne3A = arith.cmpi ne, %sign3A_61, %sign3A_68 : i32
        %rem3A = arith.remsi %scan3A_53, %jit3A : i32
        %ne3A_69 = arith.constant 0 : i32
        %ne3A_70 = arith.cmpi ne, %rem3A, %ne3A_69 : i32
        %and3A = arith.andi %ne3A, %ne3A_70 : i1
        %sub3A = arith.constant 1 : i32
        %sub3A_71 = arith.subi %div3A_55, %sub3A : i32
        %select_n3A = arith.select %and3A, %sub3A_71, %div3A_55 : i32
        %get3A = arith.index_cast %select_n3A : i32 to index
        %get3A_72 = arith.constant 0 : index
        %get3A_73 = tpu.vector_load %arg10[%get3A, %get3A_72] {strides = array<i32>} : memref<8x16xf32, #tpu.memory_space<vmem>>, vector<1x16xf32>,
        %get3A_74 = vector.shape_cast %get3A_73 : vector<1x16xf32> to vector<16xf32>
        %gt3A = arith.constant 0.000000e+00 : f32
        %gt3A_75 = vector.broadcast %gt3A : f32 to vector<16xf32>
        %gt3A_76 = arith.cmpf ogt, %get3A_74, %gt3A_75 : vector<16xf32>
        %get3A_77 = arith.index_cast %scan3A_53 : i32 to index
        %get3A_78 = arith.constant 0 : index
        %get3A_79 = tpu.vector_load %arg7[%get3A_77, %get3A_78] {strides = array<i32>} : memref<64x16xf32, #tpu.memory_space<vmem>>, vector<1x16xf32>,
        %get3A_80 = vector.shape_cast %get3A_79 : vector<1x16xf32> to vector<16xf32>
        %eq3A = arith.cmpf oeq, %get3A_80, %broadcast_in_dim3A_3 : vector<16xf32>
        %and3A_81 = arith.andi %gt3A_76, %eq3A : vector<16xi1>
        %get3A_82 = arith.index_cast %scan3A_53 : i32 to index
        %get3A_83 = arith.constant 0 : index
        %get3A_84 = tpu.vector_load %arg5[%get3A_82, %get3A_83] {strides = array<i32>} : memref<64x16xf32, #tpu.memory_space<vmem>>, vector<1x16xf32>,
        %get3A_85 = vector.shape_cast %get3A_84 : vector<1x16xf32> to vector<16xf32>
        %jit3A_86 = arith.constant 0.000000e+00 : f32
        %broadcast_in_dim3A_87 = vector.broadcast %jit3A_86 : f32 to vector<16xf32>
        %select_n3A_88 = arith.select %and3A_81, %get3A_85, %broadcast_in_dim3A_87 : vector<16xi1>, vector<16xf32>
        %swap3A = arith.constant 0 : i32
        %swap3A_89 = arith.index_cast %scan3A_53 : i32 to index
        %swap3A_90 = arith.index_cast %swap3A : i32 to index
        %swap3A_91 = arith.constant 0 : index
        %swap3A_92 = tpu.vector_load %arg8[%swap3A_89, %swap3A_90, %swap3A_91] {strides = array<i32>} : memref<64x1x16xf32, #tpu.memory_space<vmem>>, vector<1x1x16xf32>,
        %swap3A_93 = vector.shape_cast %swap3A_92 : vector<1x1x16xf32> to vector<16xf32>
        %swap3A_94 = vector.shape_cast %select_n3A_88 : vector<16xf32> to vector<1x1x16xf32>
        tpu.vector_store %arg8[%swap3A_89, %swap3A_90, %swap3A_91], %swap3A_94 {strides = array<i32>} : memref<64x1x16xf32, #tpu.memory_space<vmem>>, vector<1x1x16xf32>,
        %add3A_95 = arith.addf %scan3A_54, %select_n3A_88 : vector<16xf32>
        %scan3A_96 = arith.constant 1 : i32
        %scan3A_97 = arith.addi %scan3A_53, %scan3A_96 : i32
        %jit3A_98 = arith.constant 8 : i32
        %div3A_99 = arith.divsi %scan3A_97, %jit3A_98 : i32
        %sign3A_100 = arith.constant 0 : i32
        %sign3A_101 = arith.cmpi sgt, %scan3A_97, %sign3A_100 : i32
        %sign3A_102 = arith.extui %sign3A_101 : i1 to i32
        %sign3A_103 = arith.constant 0 : i32
        %sign3A_104 = arith.cmpi slt, %scan3A_97, %sign3A_103 : i32
        %sign3A_105 = arith.extui %sign3A_104 : i1 to i32
        %sign3A_106 = arith.subi %sign3A_102, %sign3A_105 : i32
        %sign3A_107 = arith.constant 0 : i32
        %sign3A_108 = arith.cmpi sgt, %jit3A_98, %sign3A_107 : i32
        %sign3A_109 = arith.extui %sign3A_108 : i1 to i32
        %sign3A_110 = arith.constant 0 : i32
        %sign3A_111 = arith.cmpi slt, %jit3A_98, %sign3A_110 : i32
        %sign3A_112 = arith.extui %sign3A_111 : i1 to i32
        %sign3A_113 = arith.subi %sign3A_109, %sign3A_112 : i32
        %ne3A_114 = arith.cmpi ne, %sign3A_106, %sign3A_113 : i32
        %rem3A_115 = arith.remsi %scan3A_97, %jit3A_98 : i32
        %ne3A_116 = arith.constant 0 : i32
        %ne3A_117 = arith.cmpi ne, %rem3A_115, %ne3A_116 : i32
        %and3A_118 = arith.andi %ne3A_114, %ne3A_117 : i1
        %sub3A_119 = arith.constant 1 : i32
        %sub3A_120 = arith.subi %div3A_99, %sub3A_119 : i32
        %select_n3A_121 = arith.select %and3A_118, %sub3A_120, %div3A_99 : i32
        %get3A_122 = arith.index_cast %select_n3A_121 : i32 to index
        %get3A_123 = arith.constant 0 : index
        %get3A_124 = tpu.vector_load %arg10[%get3A_122, %get3A_123] {strides = array<i32>} : memref<8x16xf32, #tpu.memory_space<vmem>>, vector<1x16xf32>,
        %get3A_125 = vector.shape_cast %get3A_124 : vector<1x16xf32> to vector<16xf32>
        %gt3A_126 = arith.constant 0.000000e+00 : f32
        %gt3A_127 = vector.broadcast %gt3A_126 : f32 to vector<16xf32>
        %gt3A_128 = arith.cmpf ogt, %get3A_125, %gt3A_127 : vector<16xf32>
        %get3A_129 = arith.index_cast %scan3A_97 : i32 to index
        %get3A_130 = arith.constant 0 : index
        %get3A_131 = tpu.vector_load %arg7[%get3A_129, %get3A_130] {strides = array<i32>} : memref<64x16xf32, #tpu.memory_space<vmem>>, vector<1x16xf32>,
        %get3A_132 = vector.shape_cast %get3A_131 : vector<1x16xf32> to vector<16xf32>
        %eq3A_133 = arith.cmpf oeq, %get3A_132, %broadcast_in_dim3A_3 : vector<16xf32>
        %and3A_134 = arith.andi %gt3A_128, %eq3A_133 : vector<16xi1>
        %get3A_135 = arith.index_cast %scan3A_97 : i32 to index
        %get3A_136 = arith.constant 0 : index
        %get3A_137 = tpu.vector_load %arg5[%get3A_135, %get3A_136] {strides = array<i32>} : memref<64x16xf32, #tpu.memory_space<vmem>>, vector<1x16xf32>,
        %get3A_138 = vector.shape_cast %get3A_137 : vector<1x16xf32> to vector<16xf32>
        %jit3A_139 = arith.constant 0.000000e+00 : f32
        %broadcast_in_dim3A_140 = vector.broadcast %jit3A_139 : f32 to vector<16xf32>
        %select_n3A_141 = arith.select %and3A_134, %get3A_138, %broadcast_in_dim3A_140 : vector<16xi1>, vector<16xf32>
        %swap3A_142 = arith.constant 0 : i32
        %swap3A_143 = arith.index_cast %scan3A_97 : i32 to index
        %swap3A_144 = arith.index_cast %swap3A_142 : i32 to index
        %swap3A_145 = arith.constant 0 : index
        %swap3A_146 = tpu.vector_load %arg8[%swap3A_143, %swap3A_144, %swap3A_145] {strides = array<i32>} : memref<64x1x16xf32, #tpu.memory_space<vmem>>, vector<1x1x16xf32>,
        %swap3A_147 = vector.shape_cast %swap3A_146 : vector<1x1x16xf32> to vector<16xf32>
        %swap3A_148 = vector.shape_cast %select_n3A_141 : vector<16xf32> to vector<1x1x16xf32>
        tpu.vector_store %arg8[%swap3A_143, %swap3A_144, %swap3A_145], %swap3A_148 {strides = array<i32>} : memref<64x1x16xf32, #tpu.memory_space<vmem>>, vector<1x1x16xf32>,
        %add3A_149 = arith.addf %add3A_95, %select_n3A_141 : vector<16xf32>
        %scan3A_150 = arith.constant 2 : i32
        %scan3A_151 = arith.addi %scan3A_53, %scan3A_150 : i32
        %jit3A_152 = arith.constant 8 : i32
        %div3A_153 = arith.divsi %scan3A_151, %jit3A_152 : i32
        %sign3A_154 = arith.constant 0 : i32
        %sign3A_155 = arith.cmpi sgt, %scan3A_151, %sign3A_154 : i32
        %sign3A_156 = arith.extui %sign3A_155 : i1 to i32
        %sign3A_157 = arith.constant 0 : i32
        %sign3A_158 = arith.cmpi slt, %scan3A_151, %sign3A_157 : i32
        %sign3A_159 = arith.extui %sign3A_158 : i1 to i32
        %sign3A_160 = arith.subi %sign3A_156, %sign3A_159 : i32
        %sign3A_161 = arith.constant 0 : i32
        %sign3A_162 = arith.cmpi sgt, %jit3A_152, %sign3A_161 : i32
        %sign3A_163 = arith.extui %sign3A_162 : i1 to i32
        %sign3A_164 = arith.constant 0 : i32
        %sign3A_165 = arith.cmpi slt, %jit3A_152, %sign3A_164 : i32
        %sign3A_166 = arith.extui %sign3A_165 : i1 to i32
        %sign3A_167 = arith.subi %sign3A_163, %sign3A_166 : i32
        %ne3A_168 = arith.cmpi ne, %sign3A_160, %sign3A_167 : i32
        %rem3A_169 = arith.remsi %scan3A_151, %jit3A_152 : i32
        %ne3A_170 = arith.constant 0 : i32
        %ne3A_171 = arith.cmpi ne, %rem3A_169, %ne3A_170 : i32
        %and3A_172 = arith.andi %ne3A_168, %ne3A_171 : i1
        %sub3A_173 = arith.constant 1 : i32
        %sub3A_174 = arith.subi %div3A_153, %sub3A_173 : i32
        %select_n3A_175 = arith.select %and3A_172, %sub3A_174, %div3A_153 : i32
        %get3A_176 = arith.index_cast %select_n3A_175 : i32 to index
        %get3A_177 = arith.constant 0 : index
        %get3A_178 = tpu.vector_load %arg10[%get3A_176, %get3A_177] {strides = array<i32>} : memref<8x16xf32, #tpu.memory_space<vmem>>, vector<1x16xf32>,
        %get3A_179 = vector.shape_cast %get3A_178 : vector<1x16xf32> to vector<16xf32>
        %gt3A_180 = arith.constant 0.000000e+00 : f32
        %gt3A_181 = vector.broadcast %gt3A_180 : f32 to vector<16xf32>
        %gt3A_182 = arith.cmpf ogt, %get3A_179, %gt3A_181 : vector<16xf32>
        %get3A_183 = arith.index_cast %scan3A_151 : i32 to index
        %get3A_184 = arith.constant 0 : index
        %get3A_185 = tpu.vector_load %arg7[%get3A_183, %get3A_184] {strides = array<i32>} : memref<64x16xf32, #tpu.memory_space<vmem>>, vector<1x16xf32>,
        %get3A_186 = vector.shape_cast %get3A_185 : vector<1x16xf32> to vector<16xf32>
        %eq3A_187 = arith.cmpf oeq, %get3A_186, %broadcast_in_dim3A_3 : vector<16xf32>
        %and3A_188 = arith.andi %gt3A_182, %eq3A_187 : vector<16xi1>
        %get3A_189 = arith.index_cast %scan3A_151 : i32 to index
        %get3A_190 = arith.constant 0 : index
        %get3A_191 = tpu.vector_load %arg5[%get3A_189, %get3A_190] {strides = array<i32>} : memref<64x16xf32, #tpu.memory_space<vmem>>, vector<1x16xf32>,
        %get3A_192 = vector.shape_cast %get3A_191 : vector<1x16xf32> to vector<16xf32>
        %jit3A_193 = arith.constant 0.000000e+00 : f32
        %broadcast_in_dim3A_194 = vector.broadcast %jit3A_193 : f32 to vector<16xf32>
        %select_n3A_195 = arith.select %and3A_188, %get3A_192, %broadcast_in_dim3A_194 : vector<16xi1>, vector<16xf32>
        %swap3A_196 = arith.constant 0 : i32
        %swap3A_197 = arith.index_cast %scan3A_151 : i32 to index
        %swap3A_198 = arith.index_cast %swap3A_196 : i32 to index
        %swap3A_199 = arith.constant 0 : index
        %swap3A_200 = tpu.vector_load %arg8[%swap3A_197, %swap3A_198, %swap3A_199] {strides = array<i32>} : memref<64x1x16xf32, #tpu.memory_space<vmem>>, vector<1x1x16xf32>,
        %swap3A_201 = vector.shape_cast %swap3A_200 : vector<1x1x16xf32> to vector<16xf32>
        %swap3A_202 = vector.shape_cast %select_n3A_195 : vector<16xf32> to vector<1x1x16xf32>
        tpu.vector_store %arg8[%swap3A_197, %swap3A_198, %swap3A_199], %swap3A_202 {strides = array<i32>} : memref<64x1x16xf32, #tpu.memory_space<vmem>>, vector<1x1x16xf32>,
        %add3A_203 = arith.addf %add3A_149, %select_n3A_195 : vector<16xf32>
        %scan3A_204 = arith.constant 3 : i32
        %scan3A_205 = arith.addi %scan3A_53, %scan3A_204 : i32
        %jit3A_206 = arith.constant 8 : i32
        %div3A_207 = arith.divsi %scan3A_205, %jit3A_206 : i32
        %sign3A_208 = arith.constant 0 : i32
        %sign3A_209 = arith.cmpi sgt, %scan3A_205, %sign3A_208 : i32
        %sign3A_210 = arith.extui %sign3A_209 : i1 to i32
        %sign3A_211 = arith.constant 0 : i32
        %sign3A_212 = arith.cmpi slt, %scan3A_205, %sign3A_211 : i32
        %sign3A_213 = arith.extui %sign3A_212 : i1 to i32
        %sign3A_214 = arith.subi %sign3A_210, %sign3A_213 : i32
        %sign3A_215 = arith.constant 0 : i32
        %sign3A_216 = arith.cmpi sgt, %jit3A_206, %sign3A_215 : i32
        %sign3A_217 = arith.extui %sign3A_216 : i1 to i32
        %sign3A_218 = arith.constant 0 : i32
        %sign3A_219 = arith.cmpi slt, %jit3A_206, %sign3A_218 : i32
        %sign3A_220 = arith.extui %sign3A_219 : i1 to i32
        %sign3A_221 = arith.subi %sign3A_217, %sign3A_220 : i32
        %ne3A_222 = arith.cmpi ne, %sign3A_214, %sign3A_221 : i32
        %rem3A_223 = arith.remsi %scan3A_205, %jit3A_206 : i32
        %ne3A_224 = arith.constant 0 : i32
        %ne3A_225 = arith.cmpi ne, %rem3A_223, %ne3A_224 : i32
        %and3A_226 = arith.andi %ne3A_222, %ne3A_225 : i1
        %sub3A_227 = arith.constant 1 : i32
        %sub3A_228 = arith.subi %div3A_207, %sub3A_227 : i32
        %select_n3A_229 = arith.select %and3A_226, %sub3A_228, %div3A_207 : i32
        %get3A_230 = arith.index_cast %select_n3A_229 : i32 to index
        %get3A_231 = arith.constant 0 : index
        %get3A_232 = tpu.vector_load %arg10[%get3A_230, %get3A_231] {strides = array<i32>} : memref<8x16xf32, #tpu.memory_space<vmem>>, vector<1x16xf32>,
        %get3A_233 = vector.shape_cast %get3A_232 : vector<1x16xf32> to vector<16xf32>
        %gt3A_234 = arith.constant 0.000000e+00 : f32
        %gt3A_235 = vector.broadcast %gt3A_234 : f32 to vector<16xf32>
        %gt3A_236 = arith.cmpf ogt, %get3A_233, %gt3A_235 : vector<16xf32>
        %get3A_237 = arith.index_cast %scan3A_205 : i32 to index
        %get3A_238 = arith.constant 0 : index
        %get3A_239 = tpu.vector_load %arg7[%get3A_237, %get3A_238] {strides = array<i32>} : memref<64x16xf32, #tpu.memory_space<vmem>>, vector<1x16xf32>,
        %get3A_240 = vector.shape_cast %get3A_239 : vector<1x16xf32> to vector<16xf32>
        %eq3A_241 = arith.cmpf oeq, %get3A_240, %broadcast_in_dim3A_3 : vector<16xf32>
        %and3A_242 = arith.andi %gt3A_236, %eq3A_241 : vector<16xi1>
        %get3A_243 = arith.index_cast %scan3A_205 : i32 to index
        %get3A_244 = arith.constant 0 : index
        %get3A_245 = tpu.vector_load %arg5[%get3A_243, %get3A_244] {strides = array<i32>} : memref<64x16xf32, #tpu.memory_space<vmem>>, vector<1x16xf32>,
        %get3A_246 = vector.shape_cast %get3A_245 : vector<1x16xf32> to vector<16xf32>
        %jit3A_247 = arith.constant 0.000000e+00 : f32
        %broadcast_in_dim3A_248 = vector.broadcast %jit3A_247 : f32 to vector<16xf32>
        %select_n3A_249 = arith.select %and3A_242, %get3A_246, %broadcast_in_dim3A_248 : vector<16xi1>, vector<16xf32>
        %swap3A_250 = arith.constant 0 : i32
        %swap3A_251 = arith.index_cast %scan3A_205 : i32 to index
        %swap3A_252 = arith.index_cast %swap3A_250 : i32 to index
        %swap3A_253 = arith.constant 0 : index
        %swap3A_254 = tpu.vector_load %arg8[%swap3A_251, %swap3A_252, %swap3A_253] {strides = array<i32>} : memref<64x1x16xf32, #tpu.memory_space<vmem>>, vector<1x1x16xf32>,
        %swap3A_255 = vector.shape_cast %swap3A_254 : vector<1x1x16xf32> to vector<16xf32>
        %swap3A_256 = vector.shape_cast %select_n3A_249 : vector<16xf32> to vector<1x1x16xf32>
        tpu.vector_store %arg8[%swap3A_251, %swap3A_252, %swap3A_253], %swap3A_256 {strides = array<i32>} : memref<64x1x16xf32, #tpu.memory_space<vmem>>, vector<1x1x16xf32>,
        %add3A_257 = arith.addf %add3A_203, %select_n3A_249 : vector<16xf32>
        scf.yield %add3A_257 : vector<16xf32>
      }
      %scan3A_40 = arith.constant 64 : i32
      %add3A_41 = arith.constant 9.99999968E-21 : f32
      %add3A_42 = vector.broadcast %add3A_41 : f32 to vector<16xf32>
      %add3A_43 = arith.addf %scan3A_39, %add3A_42 : vector<16xf32>
      %div3A = arith.constant 2.500000e+00 : f32
      %div3A_44 = vector.broadcast %div3A : f32 to vector<16xf32>
      %div3A_45 = arith.divf %div3A_44, %add3A_43 : vector<16xf32>
      %scan3A_46 = arith.constant 0 : i32
      %scan3A_47 = arith.constant 0 : i32
      %scan3A_48 = arith.constant 64 : i32
      %scan3A_49 = arith.addi %scan3A_47, %scan3A_48 : i32
      %scan3A_50 = arith.constant 4 : i32
      %scan3A_51 = scf.for %scan3A_53 = %scan3A_47 to %scan3A_49 step %scan3A_50 iter_args(%scan3A_54 = %scan3A_46) -> (i32)  : i32 {
        %get3A = arith.constant 0 : i32
        %get3A_55 = arith.index_cast %scan3A_53 : i32 to index
        %get3A_56 = arith.index_cast %get3A : i32 to index
        %get3A_57 = arith.constant 0 : index
        %get3A_58 = tpu.vector_load %arg8[%get3A_55, %get3A_56, %get3A_57] {strides = array<i32>} : memref<64x1x16xf32, #tpu.memory_space<vmem>>, vector<1x1x16xf32>,
        %get3A_59 = vector.shape_cast %get3A_58 : vector<1x1x16xf32> to vector<16xf32>
        %mul3A_60 = arith.mulf %get3A_59, %div3A_45 : vector<16xf32>
        %swap3A = arith.constant 0 : i32
        %swap3A_61 = arith.index_cast %scan3A_53 : i32 to index
        %swap3A_62 = arith.index_cast %swap3A : i32 to index
        %swap3A_63 = arith.constant 0 : index
        %swap3A_64 = tpu.vector_load %arg8[%swap3A_61, %swap3A_62, %swap3A_63] {strides = array<i32>} : memref<64x1x16xf32, #tpu.memory_space<vmem>>, vector<1x1x16xf32>,
        %swap3A_65 = vector.shape_cast %swap3A_64 : vector<1x1x16xf32> to vector<16xf32>
        %swap3A_66 = vector.shape_cast %mul3A_60 : vector<16xf32> to vector<1x1x16xf32>
        tpu.vector_store %arg8[%swap3A_61, %swap3A_62, %swap3A_63], %swap3A_66 {strides = array<i32>} : memref<64x1x16xf32, #tpu.memory_space<vmem>>, vector<1x1x16xf32>,
        %scan3A_67 = arith.constant 0 : i32
        %scan3A_68 = arith.constant 1 : i32
        %scan3A_69 = arith.addi %scan3A_53, %scan3A_68 : i32
        %get3A_70 = arith.constant 0 : i32
        %get3A_71 = arith.index_cast %scan3A_69 : i32 to index
        %get3A_72 = arith.index_cast %get3A_70 : i32 to index
        %get3A_73 = arith.constant 0 : index
        %get3A_74 = tpu.vector_load %arg8[%get3A_71, %get3A_72, %get3A_73] {strides = array<i32>} : memref<64x1x16xf32, #tpu.memory_space<vmem>>, vector<1x1x16xf32>,
        %get3A_75 = vector.shape_cast %get3A_74 : vector<1x1x16xf32> to vector<16xf32>
        %mul3A_76 = arith.mulf %get3A_75, %div3A_45 : vector<16xf32>
        %swap3A_77 = arith.constant 0 : i32
        %swap3A_78 = arith.index_cast %scan3A_69 : i32 to index
        %swap3A_79 = arith.index_cast %swap3A_77 : i32 to index
        %swap3A_80 = arith.constant 0 : index
        %swap3A_81 = tpu.vector_load %arg8[%swap3A_78, %swap3A_79, %swap3A_80] {strides = array<i32>} : memref<64x1x16xf32, #tpu.memory_space<vmem>>, vector<1x1x16xf32>,
        %swap3A_82 = vector.shape_cast %swap3A_81 : vector<1x1x16xf32> to vector<16xf32>
        %swap3A_83 = vector.shape_cast %mul3A_76 : vector<16xf32> to vector<1x1x16xf32>
        tpu.vector_store %arg8[%swap3A_78, %swap3A_79, %swap3A_80], %swap3A_83 {strides = array<i32>} : memref<64x1x16xf32, #tpu.memory_space<vmem>>, vector<1x1x16xf32>,
        %scan3A_84 = arith.constant 0 : i32
        %scan3A_85 = arith.constant 2 : i32
        %scan3A_86 = arith.addi %scan3A_53, %scan3A_85 : i32
        %get3A_87 = arith.constant 0 : i32
        %get3A_88 = arith.index_cast %scan3A_86 : i32 to index
        %get3A_89 = arith.index_cast %get3A_87 : i32 to index
        %get3A_90 = arith.constant 0 : index
        %get3A_91 = tpu.vector_load %arg8[%get3A_88, %get3A_89, %get3A_90] {strides = array<i32>} : memref<64x1x16xf32, #tpu.memory_space<vmem>>, vector<1x1x16xf32>,
        %get3A_92 = vector.shape_cast %get3A_91 : vector<1x1x16xf32> to vector<16xf32>
        %mul3A_93 = arith.mulf %get3A_92, %div3A_45 : vector<16xf32>
        %swap3A_94 = arith.constant 0 : i32
        %swap3A_95 = arith.index_cast %scan3A_86 : i32 to index
        %swap3A_96 = arith.index_cast %swap3A_94 : i32 to index
        %swap3A_97 = arith.constant 0 : index
        %swap3A_98 = tpu.vector_load %arg8[%swap3A_95, %swap3A_96, %swap3A_97] {strides = array<i32>} : memref<64x1x16xf32, #tpu.memory_space<vmem>>, vector<1x1x16xf32>,
        %swap3A_99 = vector.shape_cast %swap3A_98 : vector<1x1x16xf32> to vector<16xf32>
        %swap3A_100 = vector.shape_cast %mul3A_93 : vector<16xf32> to vector<1x1x16xf32>
        tpu.vector_store %arg8[%swap3A_95, %swap3A_96, %swap3A_97], %swap3A_100 {strides = array<i32>} : memref<64x1x16xf32, #tpu.memory_space<vmem>>, vector<1x1x16xf32>,
        %scan3A_101 = arith.constant 0 : i32
        %scan3A_102 = arith.constant 3 : i32
        %scan3A_103 = arith.addi %scan3A_53, %scan3A_102 : i32
        %get3A_104 = arith.constant 0 : i32
        %get3A_105 = arith.index_cast %scan3A_103 : i32 to index
        %get3A_106 = arith.index_cast %get3A_104 : i32 to index
        %get3A_107 = arith.constant 0 : index
        %get3A_108 = tpu.vector_load %arg8[%get3A_105, %get3A_106, %get3A_107] {strides = array<i32>} : memref<64x1x16xf32, #tpu.memory_space<vmem>>, vector<1x1x16xf32>,
        %get3A_109 = vector.shape_cast %get3A_108 : vector<1x1x16xf32> to vector<16xf32>
        %mul3A_110 = arith.mulf %get3A_109, %div3A_45 : vector<16xf32>
        %swap3A_111 = arith.constant 0 : i32
        %swap3A_112 = arith.index_cast %scan3A_103 : i32 to index
        %swap3A_113 = arith.index_cast %swap3A_111 : i32 to index
        %swap3A_114 = arith.constant 0 : index
        %swap3A_115 = tpu.vector_load %arg8[%swap3A_112, %swap3A_113, %swap3A_114] {strides = array<i32>} : memref<64x1x16xf32, #tpu.memory_space<vmem>>, vector<1x1x16xf32>,
        %swap3A_116 = vector.shape_cast %swap3A_115 : vector<1x1x16xf32> to vector<16xf32>
        %swap3A_117 = vector.shape_cast %mul3A_110 : vector<16xf32> to vector<1x1x16xf32>
        tpu.vector_store %arg8[%swap3A_112, %swap3A_113, %swap3A_114], %swap3A_117 {strides = array<i32>} : memref<64x1x16xf32, #tpu.memory_space<vmem>>, vector<1x1x16xf32>,
        %scan3A_118 = arith.constant 0 : i32
        scf.yield %scan3A_118 : i32
      }
      %scan3A_52 = arith.constant 64 : i32
      "tpu.region"() ({
        %run_scoped3A = tpu.sem_alloc : memref<!tpu.dma_semaphore, #tpu.memory_space<semaphore_mem>>
        %dma_start3A = arith.constant 0 : i32
        %dma_start3A_53 = arith.constant 0 : i32
        %dma_start3A_54 = arith.constant 0 : i32
        %dma_start3A_55 = tpu.memref_slice %arg4[%dma_start3A, %add3A, %dma_start3A_53, %dma_start3A_54] : memref<64x8x1x16xf32, #tpu.memory_space<hbm>> -> memref<64x1x1x16xf32, #tpu.memory_space<hbm>>
        %dma_start3A_56 = tpu.memref_squeeze %dma_start3A_55 : memref<64x1x1x16xf32, #tpu.memory_space<hbm>> -> memref<64x1x16xf32, #tpu.memory_space<hbm>>
        %dma_start3A_57 = arith.constant 0 : i32
        %dma_start3A_58 = arith.constant 0 : i32
        %dma_start3A_59 = arith.constant 0 : i32
        %dma_start3A_60 = tpu.memref_slice %arg4[%dma_start3A_57, %add3A, %dma_start3A_58, %dma_start3A_59] : memref<64x8x1x16xf32, #tpu.memory_space<hbm>> -> memref<64x1x1x16xf32, #tpu.memory_space<hbm>>
        %dma_start3A_61 = tpu.memref_squeeze %dma_start3A_60 : memref<64x1x1x16xf32, #tpu.memory_space<hbm>> -> memref<64x1x16xf32, #tpu.memory_space<hbm>>
        tpu.enqueue_dma source(%arg8 : memref<64x1x16xf32, #tpu.memory_space<vmem>>) target(%dma_start3A_61 : memref<64x1x16xf32, #tpu.memory_space<hbm>>) target_semaphore(%run_scoped3A : memref<!tpu.dma_semaphore, #tpu.memory_space<semaphore_mem>>)
        %dma_wait3A = arith.constant 0 : i32
        %dma_wait3A_62 = arith.constant 0 : i32
        %dma_wait3A_63 = arith.constant 0 : i32
        %dma_wait3A_64 = tpu.memref_slice %arg4[%dma_wait3A, %add3A, %dma_wait3A_62, %dma_wait3A_63] : memref<64x8x1x16xf32, #tpu.memory_space<hbm>> -> memref<64x1x1x16xf32, #tpu.memory_space<hbm>>
        %dma_wait3A_65 = tpu.memref_squeeze %dma_wait3A_64 : memref<64x1x1x16xf32, #tpu.memory_space<hbm>> -> memref<64x1x16xf32, #tpu.memory_space<hbm>>
        %dma_wait3A_66 = arith.constant 0 : i32
        %dma_wait3A_67 = arith.constant 0 : i32
        %dma_wait3A_68 = arith.constant 0 : i32
        %dma_wait3A_69 = tpu.memref_slice %arg4[%dma_wait3A_66, %add3A, %dma_wait3A_67, %dma_wait3A_68] : memref<64x8x1x16xf32, #tpu.memory_space<hbm>> -> memref<64x1x1x16xf32, #tpu.memory_space<hbm>>
        %dma_wait3A_70 = tpu.memref_squeeze %dma_wait3A_69 : memref<64x1x1x16xf32, #tpu.memory_space<hbm>> -> memref<64x1x16xf32, #tpu.memory_space<hbm>>
        tpu.wait_dma2 semaphore(%run_scoped3A : memref<!tpu.dma_semaphore, #tpu.memory_space<semaphore_mem>>) src(%arg8 : memref<64x1x16xf32, #tpu.memory_space<vmem>>) dst(%dma_wait3A_70 : memref<64x1x16xf32, #tpu.memory_space<hbm>>)
        tpu.yield
      }) : () -> ()
    } else {
    }
    return
  }
}

module attributes {stable_mosaic.version = 14 : i64} {
  func.func @_moe_a_kernel(%arg0: i32, %arg1: memref<128x1024xf32, #tpu.memory_space<vmem>>, %arg2: memref<2x1024x512xf32, #tpu.memory_space<vmem>>, %arg3: memref<2x1024x512xf32, #tpu.memory_space<vmem>>, %arg4: memref<2x512x1024xf32, #tpu.memory_space<vmem>>, %arg5: memref<2x128x1024xbf16, #tpu.memory_space<vmem>>) attributes {dimension_semantics = [#tpu.dimension_semantics<arbitrary>], iteration_bounds = array<i64: 2>, scalar_prefetch = 0 : i64, scratch_operands = 0 : i64, tpu.core_type = #tpu.core_type<tc>, window_params = [{pipeline_mode = #tpu.pipeline_mode<synchronous>, transform_indices = @transform_0, window_bounds = array<i64: 128, 1024>}, {transform_indices = @transform_1, window_bounds = array<i64: 2, 1024, 512>}, {transform_indices = @transform_2, window_bounds = array<i64: 2, 1024, 512>}, {transform_indices = @transform_3, window_bounds = array<i64: 2, 512, 1024>}, {transform_indices = @transform_4, window_bounds = array<i64: 2, 128, 1024>}]} {
    %get3A = arith.constant 0 : index
    %get3A_0 = arith.constant 0 : index
    %get3A_1 = vector.load %arg1[%get3A, %get3A_0] : memref<128x1024xf32, #tpu.memory_space<vmem>>, vector<128x1024xf32>
    %get3A_2 = arith.constant 0 : index
    %get3A_3 = arith.constant 0 : index
    %get3A_4 = arith.constant 0 : index
    %get3A_5 = vector.load %arg2[%get3A_2, %get3A_3, %get3A_4] : memref<2x1024x512xf32, #tpu.memory_space<vmem>>, vector<1x1024x512xf32>
    %get3A_6 = vector.shape_cast %get3A_5 : vector<1x1024x512xf32> to vector<1024x512xf32>
    %get3A_7 = arith.constant 0 : index
    %get3A_8 = arith.constant 0 : index
    %get3A_9 = arith.constant 0 : index
    %get3A_10 = vector.load %arg3[%get3A_7, %get3A_8, %get3A_9] : memref<2x1024x512xf32, #tpu.memory_space<vmem>>, vector<1x1024x512xf32>
    %get3A_11 = vector.shape_cast %get3A_10 : vector<1x1024x512xf32> to vector<1024x512xf32>
    %get3A_12 = arith.constant 0 : index
    %get3A_13 = arith.constant 0 : index
    %get3A_14 = arith.constant 0 : index
    %get3A_15 = vector.load %arg4[%get3A_12, %get3A_13, %get3A_14] : memref<2x512x1024xf32, #tpu.memory_space<vmem>>, vector<1x512x1024xf32>
    %get3A_16 = vector.shape_cast %get3A_15 : vector<1x512x1024xf32> to vector<512x1024xf32>
    %dot_general3A = arith.constant dense<0.000000e+00> : vector<128x512xf32>
    %dot_general3A_17 = tpu.matmul %get3A_1, %get3A_6, %dot_general3A {dimension_numbers = #tpu.dot_dimension_numbers<[1], [0], [0], [1], [0, 0, 1, 1], [], []>, transpose_lhs_hint = false} : vector<128x1024xf32>, vector<1024x512xf32>, vector<128x512xf32> -> vector<128x512xf32>
    %dot_general3A_18 = arith.constant dense<0.000000e+00> : vector<128x512xf32>
    %dot_general3A_19 = tpu.matmul %get3A_1, %get3A_11, %dot_general3A_18 {dimension_numbers = #tpu.dot_dimension_numbers<[1], [0], [0], [1], [0, 0, 1, 1], [], []>, transpose_lhs_hint = false} : vector<128x1024xf32>, vector<1024x512xf32>, vector<128x512xf32> -> vector<128x512xf32>
    %logistic3A = arith.negf %dot_general3A_17 : vector<128x512xf32>
    %logistic3A_20 = math.exp %logistic3A : vector<128x512xf32>
    %logistic3A_21 = arith.constant 1.000000e+00 : f32
    %logistic3A_22 = vector.broadcast %logistic3A_21 : f32 to vector<128x512xf32>
    %logistic3A_23 = arith.addf %logistic3A_22, %logistic3A_20 : vector<128x512xf32>
    %logistic3A_24 = arith.divf %logistic3A_22, %logistic3A_23 : vector<128x512xf32>
    %mul3A = arith.mulf %dot_general3A_17, %logistic3A_24 : vector<128x512xf32>
    %mul3A_25 = arith.mulf %mul3A, %dot_general3A_19 : vector<128x512xf32>
    %dot_general3A_26 = arith.constant dense<0.000000e+00> : vector<128x1024xf32>
    %dot_general3A_27 = tpu.matmul %mul3A_25, %get3A_16, %dot_general3A_26 {dimension_numbers = #tpu.dot_dimension_numbers<[1], [0], [0], [1], [0, 0, 1, 1], [], []>, transpose_lhs_hint = false} : vector<128x512xf32>, vector<512x1024xf32>, vector<128x1024xf32> -> vector<128x1024xf32>
    %convert_element_type3A = arith.truncf %dot_general3A_27 : vector<128x1024xf32> to vector<128x1024xbf16>
    %swap3A = arith.constant 0 : index
    %swap3A_28 = arith.constant 0 : index
    %swap3A_29 = arith.constant 0 : index
    %swap3A_30 = vector.load %arg5[%swap3A, %swap3A_28, %swap3A_29] : memref<2x128x1024xbf16, #tpu.memory_space<vmem>>, vector<1x128x1024xbf16>
    %swap3A_31 = vector.shape_cast %swap3A_30 : vector<1x128x1024xbf16> to vector<128x1024xbf16>
    %swap3A_32 = vector.shape_cast %convert_element_type3A : vector<128x1024xbf16> to vector<1x128x1024xbf16>
    tpu.vector_store %arg5[%swap3A, %swap3A_28, %swap3A_29], %swap3A_32 {strides = array<i32>} : memref<2x128x1024xbf16, #tpu.memory_space<vmem>>, vector<1x128x1024xbf16>,
    %get3A_33 = arith.constant 1 : index
    %get3A_34 = arith.constant 0 : index
    %get3A_35 = arith.constant 0 : index
    %get3A_36 = vector.load %arg2[%get3A_33, %get3A_34, %get3A_35] : memref<2x1024x512xf32, #tpu.memory_space<vmem>>, vector<1x1024x512xf32>
    %get3A_37 = vector.shape_cast %get3A_36 : vector<1x1024x512xf32> to vector<1024x512xf32>
    %get3A_38 = arith.constant 1 : index
    %get3A_39 = arith.constant 0 : index
    %get3A_40 = arith.constant 0 : index
    %get3A_41 = vector.load %arg3[%get3A_38, %get3A_39, %get3A_40] : memref<2x1024x512xf32, #tpu.memory_space<vmem>>, vector<1x1024x512xf32>
    %get3A_42 = vector.shape_cast %get3A_41 : vector<1x1024x512xf32> to vector<1024x512xf32>
    %get3A_43 = arith.constant 1 : index
    %get3A_44 = arith.constant 0 : index
    %get3A_45 = arith.constant 0 : index
    %get3A_46 = vector.load %arg4[%get3A_43, %get3A_44, %get3A_45] : memref<2x512x1024xf32, #tpu.memory_space<vmem>>, vector<1x512x1024xf32>
    %get3A_47 = vector.shape_cast %get3A_46 : vector<1x512x1024xf32> to vector<512x1024xf32>
    %dot_general3A_48 = arith.constant dense<0.000000e+00> : vector<128x512xf32>
    %dot_general3A_49 = tpu.matmul %get3A_1, %get3A_37, %dot_general3A_48 {dimension_numbers = #tpu.dot_dimension_numbers<[1], [0], [0], [1], [0, 0, 1, 1], [], []>, transpose_lhs_hint = false} : vector<128x1024xf32>, vector<1024x512xf32>, vector<128x512xf32> -> vector<128x512xf32>
    %dot_general3A_50 = arith.constant dense<0.000000e+00> : vector<128x512xf32>
    %dot_general3A_51 = tpu.matmul %get3A_1, %get3A_42, %dot_general3A_50 {dimension_numbers = #tpu.dot_dimension_numbers<[1], [0], [0], [1], [0, 0, 1, 1], [], []>, transpose_lhs_hint = false} : vector<128x1024xf32>, vector<1024x512xf32>, vector<128x512xf32> -> vector<128x512xf32>
    %logistic3A_52 = arith.negf %dot_general3A_49 : vector<128x512xf32>
    %logistic3A_53 = math.exp %logistic3A_52 : vector<128x512xf32>
    %logistic3A_54 = arith.constant 1.000000e+00 : f32
    %logistic3A_55 = vector.broadcast %logistic3A_54 : f32 to vector<128x512xf32>
    %logistic3A_56 = arith.addf %logistic3A_55, %logistic3A_53 : vector<128x512xf32>
    %logistic3A_57 = arith.divf %logistic3A_55, %logistic3A_56 : vector<128x512xf32>
    %mul3A_58 = arith.mulf %dot_general3A_49, %logistic3A_57 : vector<128x512xf32>
    %mul3A_59 = arith.mulf %mul3A_58, %dot_general3A_51 : vector<128x512xf32>
    %dot_general3A_60 = arith.constant dense<0.000000e+00> : vector<128x1024xf32>
    %dot_general3A_61 = tpu.matmul %mul3A_59, %get3A_47, %dot_general3A_60 {dimension_numbers = #tpu.dot_dimension_numbers<[1], [0], [0], [1], [0, 0, 1, 1], [], []>, transpose_lhs_hint = false} : vector<128x512xf32>, vector<512x1024xf32>, vector<128x1024xf32> -> vector<128x1024xf32>
    %convert_element_type3A_62 = arith.truncf %dot_general3A_61 : vector<128x1024xf32> to vector<128x1024xbf16>
    %swap3A_63 = arith.constant 1 : index
    %swap3A_64 = arith.constant 0 : index
    %swap3A_65 = arith.constant 0 : index
    %swap3A_66 = vector.load %arg5[%swap3A_63, %swap3A_64, %swap3A_65] : memref<2x128x1024xbf16, #tpu.memory_space<vmem>>, vector<1x128x1024xbf16>
    %swap3A_67 = vector.shape_cast %swap3A_66 : vector<1x128x1024xbf16> to vector<128x1024xbf16>
    %swap3A_68 = vector.shape_cast %convert_element_type3A_62 : vector<128x1024xbf16> to vector<1x128x1024xbf16>
    tpu.vector_store %arg5[%swap3A_63, %swap3A_64, %swap3A_65], %swap3A_68 {strides = array<i32>} : memref<2x128x1024xbf16, #tpu.memory_space<vmem>>, vector<1x128x1024xbf16>,
    return
  }
  func.func @transform_0(%arg0: i32) -> (i32, i32) {
    %c0_i32 = arith.constant 0 : i32
    %c0_i32_0 = arith.constant 0 : i32
    %c0_i32_1 = arith.constant 0 : i32
    return %c0_i32, %c0_i32_0 : i32, i32
  }
  func.func @transform_1(%arg0: i32) -> (i32, i32, i32) {
    %c0_i32 = arith.constant 0 : i32
    %c0_i32_0 = arith.constant 0 : i32
    %c0_i32_1 = arith.constant 0 : i32
    return %arg0, %c0_i32, %c0_i32_0 : i32, i32, i32
  }
  func.func @transform_2(%arg0: i32) -> (i32, i32, i32) {
    %c0_i32 = arith.constant 0 : i32
    %c0_i32_0 = arith.constant 0 : i32
    %c0_i32_1 = arith.constant 0 : i32
    return %arg0, %c0_i32, %c0_i32_0 : i32, i32, i32
  }
  func.func @transform_3(%arg0: i32) -> (i32, i32, i32) {
    %c0_i32 = arith.constant 0 : i32
    %c0_i32_0 = arith.constant 0 : i32
    %c0_i32_1 = arith.constant 0 : i32
    return %arg0, %c0_i32, %c0_i32_0 : i32, i32, i32
  }
  func.func @transform_4(%arg0: i32) -> (i32, i32, i32) {
    %c0_i32 = arith.constant 0 : i32
    %c0_i32_0 = arith.constant 0 : i32
    %c0_i32_1 = arith.constant 0 : i32
    return %arg0, %c0_i32, %c0_i32_0 : i32, i32, i32
  }
}

module attributes {stable_mosaic.version = 14 : i64} {
  func.func @_logits_kernel(%arg0: memref<128x1024xf32, #tpu.memory_space<vmem>>, %arg1: memref<64x1024xf32, #tpu.memory_space<vmem>>, %arg2: memref<64x1xf32, #tpu.memory_space<vmem>>, %arg3: memref<8x64x16xf32, #tpu.memory_space<vmem>>, %arg4: memref<8x64x16xf32, #tpu.memory_space<vmem>>) attributes {dimension_semantics = [], scalar_prefetch = 0 : i64, scratch_operands = 0 : i64, tpu.core_type = #tpu.core_type<tc>} {
    %get3A = arith.constant 0 : index
    %get3A_0 = arith.constant 0 : index
    %get3A_1 = vector.load %arg1[%get3A, %get3A_0] : memref<64x1024xf32, #tpu.memory_space<vmem>>, vector<64x1024xf32>
    %get3A_2 = arith.constant 0 : index
    %get3A_3 = arith.constant 0 : index
    %get3A_4 = vector.load %arg0[%get3A_2, %get3A_3] : memref<128x1024xf32, #tpu.memory_space<vmem>>, vector<128x1024xf32>
    %dot_general3A = arith.constant dense<0.000000e+00> : vector<64x128xf32>
    %dot_general3A_5 = tpu.matmul %get3A_1, %get3A_4, %dot_general3A {dimension_numbers = #tpu.dot_dimension_numbers<[1], [1], [0], [0], [0, 0, 1, 0], [], []>, transpose_lhs_hint = false} : vector<64x1024xf32>, vector<128x1024xf32>, vector<64x128xf32> -> vector<64x128xf32>
    %logistic3A = arith.negf %dot_general3A_5 : vector<64x128xf32>
    %logistic3A_6 = math.exp %logistic3A : vector<64x128xf32>
    %logistic3A_7 = arith.constant 1.000000e+00 : f32
    %logistic3A_8 = vector.broadcast %logistic3A_7 : f32 to vector<64x128xf32>
    %logistic3A_9 = arith.addf %logistic3A_8, %logistic3A_6 : vector<64x128xf32>
    %logistic3A_10 = arith.divf %logistic3A_8, %logistic3A_9 : vector<64x128xf32>
    %get3A_11 = arith.constant 0 : index
    %get3A_12 = arith.constant 0 : index
    %get3A_13 = vector.load %arg2[%get3A_11, %get3A_12] : memref<64x1xf32, #tpu.memory_space<vmem>>, vector<64x1xf32>
    %add3A = vector.broadcast %get3A_13 : vector<64x1xf32> to vector<64x128xf32>
    %add3A_14 = arith.addf %logistic3A_10, %add3A : vector<64x128xf32>
    %slice3A = vector.extract_strided_slice %logistic3A_10 {offsets = [0, 0], sizes = [64, 16], strides = [1, 1]} : vector<64x128xf32> to vector<64x16xf32>
    %swap3A = arith.constant 0 : index
    %swap3A_15 = arith.constant 0 : index
    %swap3A_16 = arith.constant 0 : index
    %swap3A_17 = vector.load %arg3[%swap3A, %swap3A_15, %swap3A_16] : memref<8x64x16xf32, #tpu.memory_space<vmem>>, vector<1x64x16xf32>
    %swap3A_18 = vector.shape_cast %swap3A_17 : vector<1x64x16xf32> to vector<64x16xf32>
    %swap3A_19 = vector.shape_cast %slice3A : vector<64x16xf32> to vector<1x64x16xf32>
    tpu.vector_store %arg3[%swap3A, %swap3A_15, %swap3A_16], %swap3A_19 {strides = array<i32>} : memref<8x64x16xf32, #tpu.memory_space<vmem>>, vector<1x64x16xf32>,
    %slice3A_20 = vector.extract_strided_slice %add3A_14 {offsets = [0, 0], sizes = [64, 16], strides = [1, 1]} : vector<64x128xf32> to vector<64x16xf32>
    %swap3A_21 = arith.constant 0 : index
    %swap3A_22 = arith.constant 0 : index
    %swap3A_23 = arith.constant 0 : index
    %swap3A_24 = vector.load %arg4[%swap3A_21, %swap3A_22, %swap3A_23] : memref<8x64x16xf32, #tpu.memory_space<vmem>>, vector<1x64x16xf32>
    %swap3A_25 = vector.shape_cast %swap3A_24 : vector<1x64x16xf32> to vector<64x16xf32>
    %swap3A_26 = vector.shape_cast %slice3A_20 : vector<64x16xf32> to vector<1x64x16xf32>
    tpu.vector_store %arg4[%swap3A_21, %swap3A_22, %swap3A_23], %swap3A_26 {strides = array<i32>} : memref<8x64x16xf32, #tpu.memory_space<vmem>>, vector<1x64x16xf32>,
    %slice3A_27 = vector.extract_strided_slice %logistic3A_10 {offsets = [0, 16], sizes = [64, 16], strides = [1, 1]} : vector<64x128xf32> to vector<64x16xf32>
    %swap3A_28 = arith.constant 1 : index
    %swap3A_29 = arith.constant 0 : index
    %swap3A_30 = arith.constant 0 : index
    %swap3A_31 = vector.load %arg3[%swap3A_28, %swap3A_29, %swap3A_30] : memref<8x64x16xf32, #tpu.memory_space<vmem>>, vector<1x64x16xf32>
    %swap3A_32 = vector.shape_cast %swap3A_31 : vector<1x64x16xf32> to vector<64x16xf32>
    %swap3A_33 = vector.shape_cast %slice3A_27 : vector<64x16xf32> to vector<1x64x16xf32>
    tpu.vector_store %arg3[%swap3A_28, %swap3A_29, %swap3A_30], %swap3A_33 {strides = array<i32>} : memref<8x64x16xf32, #tpu.memory_space<vmem>>, vector<1x64x16xf32>,
    %slice3A_34 = vector.extract_strided_slice %add3A_14 {offsets = [0, 16], sizes = [64, 16], strides = [1, 1]} : vector<64x128xf32> to vector<64x16xf32>
    %swap3A_35 = arith.constant 1 : index
    %swap3A_36 = arith.constant 0 : index
    %swap3A_37 = arith.constant 0 : index
    %swap3A_38 = vector.load %arg4[%swap3A_35, %swap3A_36, %swap3A_37] : memref<8x64x16xf32, #tpu.memory_space<vmem>>, vector<1x64x16xf32>
    %swap3A_39 = vector.shape_cast %swap3A_38 : vector<1x64x16xf32> to vector<64x16xf32>
    %swap3A_40 = vector.shape_cast %slice3A_34 : vector<64x16xf32> to vector<1x64x16xf32>
    tpu.vector_store %arg4[%swap3A_35, %swap3A_36, %swap3A_37], %swap3A_40 {strides = array<i32>} : memref<8x64x16xf32, #tpu.memory_space<vmem>>, vector<1x64x16xf32>,
    %slice3A_41 = vector.extract_strided_slice %logistic3A_10 {offsets = [0, 32], sizes = [64, 16], strides = [1, 1]} : vector<64x128xf32> to vector<64x16xf32>
    %swap3A_42 = arith.constant 2 : index
    %swap3A_43 = arith.constant 0 : index
    %swap3A_44 = arith.constant 0 : index
    %swap3A_45 = vector.load %arg3[%swap3A_42, %swap3A_43, %swap3A_44] : memref<8x64x16xf32, #tpu.memory_space<vmem>>, vector<1x64x16xf32>
    %swap3A_46 = vector.shape_cast %swap3A_45 : vector<1x64x16xf32> to vector<64x16xf32>
    %swap3A_47 = vector.shape_cast %slice3A_41 : vector<64x16xf32> to vector<1x64x16xf32>
    tpu.vector_store %arg3[%swap3A_42, %swap3A_43, %swap3A_44], %swap3A_47 {strides = array<i32>} : memref<8x64x16xf32, #tpu.memory_space<vmem>>, vector<1x64x16xf32>,
    %slice3A_48 = vector.extract_strided_slice %add3A_14 {offsets = [0, 32], sizes = [64, 16], strides = [1, 1]} : vector<64x128xf32> to vector<64x16xf32>
    %swap3A_49 = arith.constant 2 : index
    %swap3A_50 = arith.constant 0 : index
    %swap3A_51 = arith.constant 0 : index
    %swap3A_52 = vector.load %arg4[%swap3A_49, %swap3A_50, %swap3A_51] : memref<8x64x16xf32, #tpu.memory_space<vmem>>, vector<1x64x16xf32>
    %swap3A_53 = vector.shape_cast %swap3A_52 : vector<1x64x16xf32> to vector<64x16xf32>
    %swap3A_54 = vector.shape_cast %slice3A_48 : vector<64x16xf32> to vector<1x64x16xf32>
    tpu.vector_store %arg4[%swap3A_49, %swap3A_50, %swap3A_51], %swap3A_54 {strides = array<i32>} : memref<8x64x16xf32, #tpu.memory_space<vmem>>, vector<1x64x16xf32>,
    %slice3A_55 = vector.extract_strided_slice %logistic3A_10 {offsets = [0, 48], sizes = [64, 16], strides = [1, 1]} : vector<64x128xf32> to vector<64x16xf32>
    %swap3A_56 = arith.constant 3 : index
    %swap3A_57 = arith.constant 0 : index
    %swap3A_58 = arith.constant 0 : index
    %swap3A_59 = vector.load %arg3[%swap3A_56, %swap3A_57, %swap3A_58] : memref<8x64x16xf32, #tpu.memory_space<vmem>>, vector<1x64x16xf32>
    %swap3A_60 = vector.shape_cast %swap3A_59 : vector<1x64x16xf32> to vector<64x16xf32>
    %swap3A_61 = vector.shape_cast %slice3A_55 : vector<64x16xf32> to vector<1x64x16xf32>
    tpu.vector_store %arg3[%swap3A_56, %swap3A_57, %swap3A_58], %swap3A_61 {strides = array<i32>} : memref<8x64x16xf32, #tpu.memory_space<vmem>>, vector<1x64x16xf32>,
    %slice3A_62 = vector.extract_strided_slice %add3A_14 {offsets = [0, 48], sizes = [64, 16], strides = [1, 1]} : vector<64x128xf32> to vector<64x16xf32>
    %swap3A_63 = arith.constant 3 : index
    %swap3A_64 = arith.constant 0 : index
    %swap3A_65 = arith.constant 0 : index
    %swap3A_66 = vector.load %arg4[%swap3A_63, %swap3A_64, %swap3A_65] : memref<8x64x16xf32, #tpu.memory_space<vmem>>, vector<1x64x16xf32>
    %swap3A_67 = vector.shape_cast %swap3A_66 : vector<1x64x16xf32> to vector<64x16xf32>
    %swap3A_68 = vector.shape_cast %slice3A_62 : vector<64x16xf32> to vector<1x64x16xf32>
    tpu.vector_store %arg4[%swap3A_63, %swap3A_64, %swap3A_65], %swap3A_68 {strides = array<i32>} : memref<8x64x16xf32, #tpu.memory_space<vmem>>, vector<1x64x16xf32>,
    %slice3A_69 = vector.extract_strided_slice %logistic3A_10 {offsets = [0, 64], sizes = [64, 16], strides = [1, 1]} : vector<64x128xf32> to vector<64x16xf32>
    %swap3A_70 = arith.constant 4 : index
    %swap3A_71 = arith.constant 0 : index
    %swap3A_72 = arith.constant 0 : index
    %swap3A_73 = vector.load %arg3[%swap3A_70, %swap3A_71, %swap3A_72] : memref<8x64x16xf32, #tpu.memory_space<vmem>>, vector<1x64x16xf32>
    %swap3A_74 = vector.shape_cast %swap3A_73 : vector<1x64x16xf32> to vector<64x16xf32>
    %swap3A_75 = vector.shape_cast %slice3A_69 : vector<64x16xf32> to vector<1x64x16xf32>
    tpu.vector_store %arg3[%swap3A_70, %swap3A_71, %swap3A_72], %swap3A_75 {strides = array<i32>} : memref<8x64x16xf32, #tpu.memory_space<vmem>>, vector<1x64x16xf32>,
    %slice3A_76 = vector.extract_strided_slice %add3A_14 {offsets = [0, 64], sizes = [64, 16], strides = [1, 1]} : vector<64x128xf32> to vector<64x16xf32>
    %swap3A_77 = arith.constant 4 : index
    %swap3A_78 = arith.constant 0 : index
    %swap3A_79 = arith.constant 0 : index
    %swap3A_80 = vector.load %arg4[%swap3A_77, %swap3A_78, %swap3A_79] : memref<8x64x16xf32, #tpu.memory_space<vmem>>, vector<1x64x16xf32>
    %swap3A_81 = vector.shape_cast %swap3A_80 : vector<1x64x16xf32> to vector<64x16xf32>
    %swap3A_82 = vector.shape_cast %slice3A_76 : vector<64x16xf32> to vector<1x64x16xf32>
    tpu.vector_store %arg4[%swap3A_77, %swap3A_78, %swap3A_79], %swap3A_82 {strides = array<i32>} : memref<8x64x16xf32, #tpu.memory_space<vmem>>, vector<1x64x16xf32>,
    %slice3A_83 = vector.extract_strided_slice %logistic3A_10 {offsets = [0, 80], sizes = [64, 16], strides = [1, 1]} : vector<64x128xf32> to vector<64x16xf32>
    %swap3A_84 = arith.constant 5 : index
    %swap3A_85 = arith.constant 0 : index
    %swap3A_86 = arith.constant 0 : index
    %swap3A_87 = vector.load %arg3[%swap3A_84, %swap3A_85, %swap3A_86] : memref<8x64x16xf32, #tpu.memory_space<vmem>>, vector<1x64x16xf32>
    %swap3A_88 = vector.shape_cast %swap3A_87 : vector<1x64x16xf32> to vector<64x16xf32>
    %swap3A_89 = vector.shape_cast %slice3A_83 : vector<64x16xf32> to vector<1x64x16xf32>
    tpu.vector_store %arg3[%swap3A_84, %swap3A_85, %swap3A_86], %swap3A_89 {strides = array<i32>} : memref<8x64x16xf32, #tpu.memory_space<vmem>>, vector<1x64x16xf32>,
    %slice3A_90 = vector.extract_strided_slice %add3A_14 {offsets = [0, 80], sizes = [64, 16], strides = [1, 1]} : vector<64x128xf32> to vector<64x16xf32>
    %swap3A_91 = arith.constant 5 : index
    %swap3A_92 = arith.constant 0 : index
    %swap3A_93 = arith.constant 0 : index
    %swap3A_94 = vector.load %arg4[%swap3A_91, %swap3A_92, %swap3A_93] : memref<8x64x16xf32, #tpu.memory_space<vmem>>, vector<1x64x16xf32>
    %swap3A_95 = vector.shape_cast %swap3A_94 : vector<1x64x16xf32> to vector<64x16xf32>
    %swap3A_96 = vector.shape_cast %slice3A_90 : vector<64x16xf32> to vector<1x64x16xf32>
    tpu.vector_store %arg4[%swap3A_91, %swap3A_92, %swap3A_93], %swap3A_96 {strides = array<i32>} : memref<8x64x16xf32, #tpu.memory_space<vmem>>, vector<1x64x16xf32>,
    %slice3A_97 = vector.extract_strided_slice %logistic3A_10 {offsets = [0, 96], sizes = [64, 16], strides = [1, 1]} : vector<64x128xf32> to vector<64x16xf32>
    %swap3A_98 = arith.constant 6 : index
    %swap3A_99 = arith.constant 0 : index
    %swap3A_100 = arith.constant 0 : index
    %swap3A_101 = vector.load %arg3[%swap3A_98, %swap3A_99, %swap3A_100] : memref<8x64x16xf32, #tpu.memory_space<vmem>>, vector<1x64x16xf32>
    %swap3A_102 = vector.shape_cast %swap3A_101 : vector<1x64x16xf32> to vector<64x16xf32>
    %swap3A_103 = vector.shape_cast %slice3A_97 : vector<64x16xf32> to vector<1x64x16xf32>
    tpu.vector_store %arg3[%swap3A_98, %swap3A_99, %swap3A_100], %swap3A_103 {strides = array<i32>} : memref<8x64x16xf32, #tpu.memory_space<vmem>>, vector<1x64x16xf32>,
    %slice3A_104 = vector.extract_strided_slice %add3A_14 {offsets = [0, 96], sizes = [64, 16], strides = [1, 1]} : vector<64x128xf32> to vector<64x16xf32>
    %swap3A_105 = arith.constant 6 : index
    %swap3A_106 = arith.constant 0 : index
    %swap3A_107 = arith.constant 0 : index
    %swap3A_108 = vector.load %arg4[%swap3A_105, %swap3A_106, %swap3A_107] : memref<8x64x16xf32, #tpu.memory_space<vmem>>, vector<1x64x16xf32>
    %swap3A_109 = vector.shape_cast %swap3A_108 : vector<1x64x16xf32> to vector<64x16xf32>
    %swap3A_110 = vector.shape_cast %slice3A_104 : vector<64x16xf32> to vector<1x64x16xf32>
    tpu.vector_store %arg4[%swap3A_105, %swap3A_106, %swap3A_107], %swap3A_110 {strides = array<i32>} : memref<8x64x16xf32, #tpu.memory_space<vmem>>, vector<1x64x16xf32>,
    %slice3A_111 = vector.extract_strided_slice %logistic3A_10 {offsets = [0, 112], sizes = [64, 16], strides = [1, 1]} : vector<64x128xf32> to vector<64x16xf32>
    %swap3A_112 = arith.constant 7 : index
    %swap3A_113 = arith.constant 0 : index
    %swap3A_114 = arith.constant 0 : index
    %swap3A_115 = vector.load %arg3[%swap3A_112, %swap3A_113, %swap3A_114] : memref<8x64x16xf32, #tpu.memory_space<vmem>>, vector<1x64x16xf32>
    %swap3A_116 = vector.shape_cast %swap3A_115 : vector<1x64x16xf32> to vector<64x16xf32>
    %swap3A_117 = vector.shape_cast %slice3A_111 : vector<64x16xf32> to vector<1x64x16xf32>
    tpu.vector_store %arg3[%swap3A_112, %swap3A_113, %swap3A_114], %swap3A_117 {strides = array<i32>} : memref<8x64x16xf32, #tpu.memory_space<vmem>>, vector<1x64x16xf32>,
    %slice3A_118 = vector.extract_strided_slice %add3A_14 {offsets = [0, 112], sizes = [64, 16], strides = [1, 1]} : vector<64x128xf32> to vector<64x16xf32>
    %swap3A_119 = arith.constant 7 : index
    %swap3A_120 = arith.constant 0 : index
    %swap3A_121 = arith.constant 0 : index
    %swap3A_122 = vector.load %arg4[%swap3A_119, %swap3A_120, %swap3A_121] : memref<8x64x16xf32, #tpu.memory_space<vmem>>, vector<1x64x16xf32>
    %swap3A_123 = vector.shape_cast %swap3A_122 : vector<1x64x16xf32> to vector<64x16xf32>
    %swap3A_124 = vector.shape_cast %slice3A_118 : vector<64x16xf32> to vector<1x64x16xf32>
    tpu.vector_store %arg4[%swap3A_119, %swap3A_120, %swap3A_121], %swap3A_124 {strides = array<i32>} : memref<8x64x16xf32, #tpu.memory_space<vmem>>, vector<1x64x16xf32>,
    return
  }
}

module attributes {stable_mosaic.version = 14 : i64} {
  func.func @_moe_b_kernel(%arg0: i32, %arg1: memref<128x1024xf32, #tpu.memory_space<vmem>>, %arg2: memref<64x128xf32, #tpu.memory_space<vmem>>, %arg3: memref<2x128x1024xbf16, #tpu.memory_space<vmem>>, %arg4: memref<2x1024x512xf32, #tpu.memory_space<vmem>>, %arg5: memref<2x1024x512xf32, #tpu.memory_space<vmem>>, %arg6: memref<2x512x1024xf32, #tpu.memory_space<vmem>>, %arg7: memref<128x1024xf32, #tpu.memory_space<vmem>>, %arg8: memref<128x64xf32, #tpu.memory_space<vmem>>) attributes {dimension_semantics = [#tpu.dimension_semantics<arbitrary>], iteration_bounds = array<i64: 30>, scalar_prefetch = 0 : i64, scratch_operands = 1 : i64, tpu.core_type = #tpu.core_type<tc>, window_params = [{pipeline_mode = #tpu.pipeline_mode<synchronous>, transform_indices = @transform_0, window_bounds = array<i64: 128, 1024>}, {pipeline_mode = #tpu.pipeline_mode<synchronous>, transform_indices = @transform_1, window_bounds = array<i64: 64, 128>}, {transform_indices = @transform_2, window_bounds = array<i64: 2, 128, 1024>}, {transform_indices = @transform_3, window_bounds = array<i64: 2, 1024, 512>}, {transform_indices = @transform_4, window_bounds = array<i64: 2, 1024, 512>}, {transform_indices = @transform_5, window_bounds = array<i64: 2, 512, 1024>}, {pipeline_mode = #tpu.pipeline_mode<synchronous>, transform_indices = @transform_6, window_bounds = array<i64: 128, 1024>}]} {
    %iota3A = tpu.iota {dimensions = array<i32: 1>} : vector<128x64xi32>
    %eq3A = arith.constant 0 : i32
    %eq3A_0 = arith.cmpi eq, %arg0, %eq3A : i32
    %convert_element_type3A = arith.extui %eq3A_0 : i1 to i32
    %cond3A = arith.constant 0 : i32
    %cond3A_1 = arith.cmpi ne, %convert_element_type3A, %cond3A : i32
    scf.if %cond3A_1 {
      %iota3A_106 = tpu.iota {dimensions = array<i32: 0>} : vector<64x64xi32>
      %iota3A_107 = tpu.iota {dimensions = array<i32: 1>} : vector<64x64xi32>
      %eq3A_108 = arith.cmpi eq, %iota3A_106, %iota3A_107 : vector<64x64xi32>
      %convert_element_type3A_109 = arith.extui %eq3A_108 : vector<64x64xi1> to vector<64x64xi32>
      %convert_element_type3A_110 = arith.sitofp %convert_element_type3A_109 : vector<64x64xi32> to vector<64x64xf32>
      %get3A_111 = arith.constant 0 : index
      %get3A_112 = arith.constant 0 : index
      %get3A_113 = vector.load %arg2[%get3A_111, %get3A_112] : memref<64x128xf32, #tpu.memory_space<vmem>>, vector<64x128xf32>
      %dot_general3A_114 = arith.constant dense<0.000000e+00> : vector<128x64xf32>
      %dot_general3A_115 = tpu.matmul %get3A_113, %convert_element_type3A_110, %dot_general3A_114 {dimension_numbers = #tpu.dot_dimension_numbers<[0], [0], [1], [1], [0, 1, 1, 1], [], []>, transpose_lhs_hint = false} : vector<64x128xf32>, vector<64x64xf32>, vector<128x64xf32> -> vector<128x64xf32>
      %swap3A_116 = arith.constant 0 : index
      %swap3A_117 = arith.constant 0 : index
      %swap3A_118 = vector.load %arg8[%swap3A_116, %swap3A_117] : memref<128x64xf32, #tpu.memory_space<vmem>>, vector<128x64xf32>
      tpu.vector_store %arg8[%swap3A_116, %swap3A_117], %dot_general3A_115 {strides = array<i32>} : memref<128x64xf32, #tpu.memory_space<vmem>>, vector<128x64xf32>,
      %broadcast_in_dim3A_119 = arith.constant 0.000000e+00 : f32
      %broadcast_in_dim3A_120 = vector.broadcast %broadcast_in_dim3A_119 : f32 to vector<128x1024xf32>
      %swap3A_121 = arith.constant 0 : index
      %swap3A_122 = arith.constant 0 : index
      %swap3A_123 = vector.load %arg7[%swap3A_121, %swap3A_122] : memref<128x1024xf32, #tpu.memory_space<vmem>>, vector<128x1024xf32>
      tpu.vector_store %arg7[%swap3A_121, %swap3A_122], %broadcast_in_dim3A_120 {strides = array<i32>} : memref<128x1024xf32, #tpu.memory_space<vmem>>, vector<128x1024xf32>,
    } else {
    }
    %lt3A = arith.constant 2 : i32
    %lt3A_2 = arith.cmpi slt, %arg0, %lt3A : i32
    %convert_element_type3A_3 = arith.extui %lt3A_2 : i1 to i32
    %cond3A_4 = arith.constant 0 : i32
    %cond3A_5 = arith.cmpi ne, %convert_element_type3A_3, %cond3A_4 : i32
    scf.if %cond3A_5 {
      %broadcast_in_dim3A_106 = arith.constant 0.000000e+00 : f32
      %broadcast_in_dim3A_107 = vector.broadcast %broadcast_in_dim3A_106 : f32 to vector<128x1024xf32>
      %get3A_108 = arith.constant 0 : index
      %get3A_109 = arith.constant 0 : index
      %get3A_110 = arith.constant 0 : index
      %get3A_111 = vector.load %arg3[%get3A_108, %get3A_109, %get3A_110] : memref<2x128x1024xbf16, #tpu.memory_space<vmem>>, vector<1x128x1024xbf16>
      %get3A_112 = vector.shape_cast %get3A_111 : vector<1x128x1024xbf16> to vector<128x1024xbf16>
      %convert_element_type3A_113 = arith.extf %get3A_112 : vector<128x1024xbf16> to vector<128x1024xf32>
      %mul3A_114 = arith.constant 2 : i32
      %mul3A_115 = arith.muli %mul3A_114, %arg0 : i32
      %add3A_116 = arith.constant 0 : i32
      %add3A_117 = arith.addi %mul3A_115, %add3A_116 : i32
      %eq3A_118 = vector.broadcast %add3A_117 : i32 to vector<128x64xi32>
      %eq3A_119 = arith.cmpi eq, %iota3A, %eq3A_118 : vector<128x64xi32>
      %get3A_120 = arith.constant 0 : index
      %get3A_121 = arith.constant 0 : index
      %get3A_122 = vector.load %arg8[%get3A_120, %get3A_121] : memref<128x64xf32, #tpu.memory_space<vmem>>, vector<128x64xf32>
      %jit3A_123 = arith.constant 0.000000e+00 : f32
      %broadcast_in_dim3A_124 = vector.broadcast %jit3A_123 : f32 to vector<128x64xf32>
      %select_n3A_125 = arith.select %eq3A_119, %get3A_122, %broadcast_in_dim3A_124 : vector<128x64xi1>, vector<128x64xf32>
      %reduce_sum3A_126 = arith.constant dense<0.000000e+00> : vector<128xf32>
      %reduce_sum3A_127 = vector.multi_reduction <add>, %select_n3A_125, %reduce_sum3A_126 [1] : vector<128x64xf32> to vector<128xf32>
      %broadcast_in_dim3A_128 = vector.shape_cast %reduce_sum3A_127 : vector<128xf32> to vector<128x1xf32>
      %mul3A_129 = vector.broadcast %broadcast_in_dim3A_128 : vector<128x1xf32> to vector<128x1024xf32>
      %mul3A_130 = arith.mulf %convert_element_type3A_113, %mul3A_129 : vector<128x1024xf32>
      %add3A_131 = arith.addf %broadcast_in_dim3A_107, %mul3A_130 : vector<128x1024xf32>
      %get3A_132 = arith.constant 1 : index
      %get3A_133 = arith.constant 0 : index
      %get3A_134 = arith.constant 0 : index
      %get3A_135 = vector.load %arg3[%get3A_132, %get3A_133, %get3A_134] : memref<2x128x1024xbf16, #tpu.memory_space<vmem>>, vector<1x128x1024xbf16>
      %get3A_136 = vector.shape_cast %get3A_135 : vector<1x128x1024xbf16> to vector<128x1024xbf16>
      %convert_element_type3A_137 = arith.extf %get3A_136 : vector<128x1024xbf16> to vector<128x1024xf32>
      %mul3A_138 = arith.constant 2 : i32
      %mul3A_139 = arith.muli %mul3A_138, %arg0 : i32
      %add3A_140 = arith.constant 1 : i32
      %add3A_141 = arith.addi %mul3A_139, %add3A_140 : i32
      %eq3A_142 = vector.broadcast %add3A_141 : i32 to vector<128x64xi32>
      %eq3A_143 = arith.cmpi eq, %iota3A, %eq3A_142 : vector<128x64xi32>
      %get3A_144 = arith.constant 0 : index
      %get3A_145 = arith.constant 0 : index
      %get3A_146 = vector.load %arg8[%get3A_144, %get3A_145] : memref<128x64xf32, #tpu.memory_space<vmem>>, vector<128x64xf32>
      %jit3A_147 = arith.constant 0.000000e+00 : f32
      %broadcast_in_dim3A_148 = vector.broadcast %jit3A_147 : f32 to vector<128x64xf32>
      %select_n3A_149 = arith.select %eq3A_143, %get3A_146, %broadcast_in_dim3A_148 : vector<128x64xi1>, vector<128x64xf32>
      %reduce_sum3A_150 = arith.constant dense<0.000000e+00> : vector<128xf32>
      %reduce_sum3A_151 = vector.multi_reduction <add>, %select_n3A_149, %reduce_sum3A_150 [1] : vector<128x64xf32> to vector<128xf32>
      %broadcast_in_dim3A_152 = vector.shape_cast %reduce_sum3A_151 : vector<128xf32> to vector<128x1xf32>
      %mul3A_153 = vector.broadcast %broadcast_in_dim3A_152 : vector<128x1xf32> to vector<128x1024xf32>
      %mul3A_154 = arith.mulf %convert_element_type3A_137, %mul3A_153 : vector<128x1024xf32>
      %add3A_155 = arith.addf %add3A_131, %mul3A_154 : vector<128x1024xf32>
      %get3A_156 = arith.constant 0 : index
      %get3A_157 = arith.constant 0 : index
      %get3A_158 = vector.load %arg7[%get3A_156, %get3A_157] : memref<128x1024xf32, #tpu.memory_space<vmem>>, vector<128x1024xf32>
      %add3A_159 = arith.addf %get3A_158, %add3A_155 : vector<128x1024xf32>
      %swap3A_160 = arith.constant 0 : index
      %swap3A_161 = arith.constant 0 : index
      %swap3A_162 = vector.load %arg7[%swap3A_160, %swap3A_161] : memref<128x1024xf32, #tpu.memory_space<vmem>>, vector<128x1024xf32>
      tpu.vector_store %arg7[%swap3A_160, %swap3A_161], %add3A_159 {strides = array<i32>} : memref<128x1024xf32, #tpu.memory_space<vmem>>, vector<128x1024xf32>,
    } else {
    }
    %get3A = arith.constant 0 : index
    %get3A_6 = arith.constant 0 : index
    %get3A_7 = vector.load %arg1[%get3A, %get3A_6] : memref<128x1024xf32, #tpu.memory_space<vmem>>, vector<128x1024xf32>
    %broadcast_in_dim3A = arith.constant 0.000000e+00 : f32
    %broadcast_in_dim3A_8 = vector.broadcast %broadcast_in_dim3A : f32 to vector<128x1024xf32>
    %get3A_9 = arith.constant 0 : index
    %get3A_10 = arith.constant 0 : index
    %get3A_11 = arith.constant 0 : index
    %get3A_12 = vector.load %arg4[%get3A_9, %get3A_10, %get3A_11] : memref<2x1024x512xf32, #tpu.memory_space<vmem>>, vector<1x1024x512xf32>
    %get3A_13 = vector.shape_cast %get3A_12 : vector<1x1024x512xf32> to vector<1024x512xf32>
    %get3A_14 = arith.constant 0 : index
    %get3A_15 = arith.constant 0 : index
    %get3A_16 = arith.constant 0 : index
    %get3A_17 = vector.load %arg5[%get3A_14, %get3A_15, %get3A_16] : memref<2x1024x512xf32, #tpu.memory_space<vmem>>, vector<1x1024x512xf32>
    %get3A_18 = vector.shape_cast %get3A_17 : vector<1x1024x512xf32> to vector<1024x512xf32>
    %get3A_19 = arith.constant 0 : index
    %get3A_20 = arith.constant 0 : index
    %get3A_21 = arith.constant 0 : index
    %get3A_22 = vector.load %arg6[%get3A_19, %get3A_20, %get3A_21] : memref<2x512x1024xf32, #tpu.memory_space<vmem>>, vector<1x512x1024xf32>
    %get3A_23 = vector.shape_cast %get3A_22 : vector<1x512x1024xf32> to vector<512x1024xf32>
    %dot_general3A = arith.constant dense<0.000000e+00> : vector<128x512xf32>
    %dot_general3A_24 = tpu.matmul %get3A_7, %get3A_13, %dot_general3A {dimension_numbers = #tpu.dot_dimension_numbers<[1], [0], [0], [1], [0, 0, 1, 1], [], []>, transpose_lhs_hint = false} : vector<128x1024xf32>, vector<1024x512xf32>, vector<128x512xf32> -> vector<128x512xf32>
    %dot_general3A_25 = arith.constant dense<0.000000e+00> : vector<128x512xf32>
    %dot_general3A_26 = tpu.matmul %get3A_7, %get3A_18, %dot_general3A_25 {dimension_numbers = #tpu.dot_dimension_numbers<[1], [0], [0], [1], [0, 0, 1, 1], [], []>, transpose_lhs_hint = false} : vector<128x1024xf32>, vector<1024x512xf32>, vector<128x512xf32> -> vector<128x512xf32>
    %logistic3A = arith.negf %dot_general3A_24 : vector<128x512xf32>
    %logistic3A_27 = math.exp %logistic3A : vector<128x512xf32>
    %logistic3A_28 = arith.constant 1.000000e+00 : f32
    %logistic3A_29 = vector.broadcast %logistic3A_28 : f32 to vector<128x512xf32>
    %logistic3A_30 = arith.addf %logistic3A_29, %logistic3A_27 : vector<128x512xf32>
    %logistic3A_31 = arith.divf %logistic3A_29, %logistic3A_30 : vector<128x512xf32>
    %mul3A = arith.mulf %dot_general3A_24, %logistic3A_31 : vector<128x512xf32>
    %mul3A_32 = arith.mulf %mul3A, %dot_general3A_26 : vector<128x512xf32>
    %dot_general3A_33 = arith.constant dense<0.000000e+00> : vector<128x1024xf32>
    %dot_general3A_34 = tpu.matmul %mul3A_32, %get3A_23, %dot_general3A_33 {dimension_numbers = #tpu.dot_dimension_numbers<[1], [0], [0], [1], [0, 0, 1, 1], [], []>, transpose_lhs_hint = false} : vector<128x512xf32>, vector<512x1024xf32>, vector<128x1024xf32> -> vector<128x1024xf32>
    %mul3A_35 = arith.constant 2 : i32
    %mul3A_36 = arith.muli %mul3A_35, %arg0 : i32
    %add3A = arith.constant 4 : i32
    %add3A_37 = arith.addi %add3A, %mul3A_36 : i32
    %add3A_38 = arith.constant 0 : i32
    %add3A_39 = arith.addi %add3A_37, %add3A_38 : i32
    %eq3A_40 = vector.broadcast %add3A_39 : i32 to vector<128x64xi32>
    %eq3A_41 = arith.cmpi eq, %iota3A, %eq3A_40 : vector<128x64xi32>
    %get3A_42 = arith.constant 0 : index
    %get3A_43 = arith.constant 0 : index
    %get3A_44 = vector.load %arg8[%get3A_42, %get3A_43] : memref<128x64xf32, #tpu.memory_space<vmem>>, vector<128x64xf32>
    %jit3A = arith.constant 0.000000e+00 : f32
    %broadcast_in_dim3A_45 = vector.broadcast %jit3A : f32 to vector<128x64xf32>
    %select_n3A = arith.select %eq3A_41, %get3A_44, %broadcast_in_dim3A_45 : vector<128x64xi1>, vector<128x64xf32>
    %reduce_sum3A = arith.constant dense<0.000000e+00> : vector<128xf32>
    %reduce_sum3A_46 = vector.multi_reduction <add>, %select_n3A, %reduce_sum3A [1] : vector<128x64xf32> to vector<128xf32>
    %broadcast_in_dim3A_47 = vector.shape_cast %reduce_sum3A_46 : vector<128xf32> to vector<128x1xf32>
    %mul3A_48 = vector.broadcast %broadcast_in_dim3A_47 : vector<128x1xf32> to vector<128x1024xf32>
    %mul3A_49 = arith.mulf %dot_general3A_34, %mul3A_48 : vector<128x1024xf32>
    %add3A_50 = arith.addf %broadcast_in_dim3A_8, %mul3A_49 : vector<128x1024xf32>
    %get3A_51 = arith.constant 1 : index
    %get3A_52 = arith.constant 0 : index
    %get3A_53 = arith.constant 0 : index
    %get3A_54 = vector.load %arg4[%get3A_51, %get3A_52, %get3A_53] : memref<2x1024x512xf32, #tpu.memory_space<vmem>>, vector<1x1024x512xf32>
    %get3A_55 = vector.shape_cast %get3A_54 : vector<1x1024x512xf32> to vector<1024x512xf32>
    %get3A_56 = arith.constant 1 : index
    %get3A_57 = arith.constant 0 : index
    %get3A_58 = arith.constant 0 : index
    %get3A_59 = vector.load %arg5[%get3A_56, %get3A_57, %get3A_58] : memref<2x1024x512xf32, #tpu.memory_space<vmem>>, vector<1x1024x512xf32>
    %get3A_60 = vector.shape_cast %get3A_59 : vector<1x1024x512xf32> to vector<1024x512xf32>
    %get3A_61 = arith.constant 1 : index
    %get3A_62 = arith.constant 0 : index
    %get3A_63 = arith.constant 0 : index
    %get3A_64 = vector.load %arg6[%get3A_61, %get3A_62, %get3A_63] : memref<2x512x1024xf32, #tpu.memory_space<vmem>>, vector<1x512x1024xf32>
    %get3A_65 = vector.shape_cast %get3A_64 : vector<1x512x1024xf32> to vector<512x1024xf32>
    %dot_general3A_66 = arith.constant dense<0.000000e+00> : vector<128x512xf32>
    %dot_general3A_67 = tpu.matmul %get3A_7, %get3A_55, %dot_general3A_66 {dimension_numbers = #tpu.dot_dimension_numbers<[1], [0], [0], [1], [0, 0, 1, 1], [], []>, transpose_lhs_hint = false} : vector<128x1024xf32>, vector<1024x512xf32>, vector<128x512xf32> -> vector<128x512xf32>
    %dot_general3A_68 = arith.constant dense<0.000000e+00> : vector<128x512xf32>
    %dot_general3A_69 = tpu.matmul %get3A_7, %get3A_60, %dot_general3A_68 {dimension_numbers = #tpu.dot_dimension_numbers<[1], [0], [0], [1], [0, 0, 1, 1], [], []>, transpose_lhs_hint = false} : vector<128x1024xf32>, vector<1024x512xf32>, vector<128x512xf32> -> vector<128x512xf32>
    %logistic3A_70 = arith.negf %dot_general3A_67 : vector<128x512xf32>
    %logistic3A_71 = math.exp %logistic3A_70 : vector<128x512xf32>
    %logistic3A_72 = arith.constant 1.000000e+00 : f32
    %logistic3A_73 = vector.broadcast %logistic3A_72 : f32 to vector<128x512xf32>
    %logistic3A_74 = arith.addf %logistic3A_73, %logistic3A_71 : vector<128x512xf32>
    %logistic3A_75 = arith.divf %logistic3A_73, %logistic3A_74 : vector<128x512xf32>
    %mul3A_76 = arith.mulf %dot_general3A_67, %logistic3A_75 : vector<128x512xf32>
    %mul3A_77 = arith.mulf %mul3A_76, %dot_general3A_69 : vector<128x512xf32>
    %dot_general3A_78 = arith.constant dense<0.000000e+00> : vector<128x1024xf32>
    %dot_general3A_79 = tpu.matmul %mul3A_77, %get3A_65, %dot_general3A_78 {dimension_numbers = #tpu.dot_dimension_numbers<[1], [0], [0], [1], [0, 0, 1, 1], [], []>, transpose_lhs_hint = false} : vector<128x512xf32>, vector<512x1024xf32>, vector<128x1024xf32> -> vector<128x1024xf32>
    %mul3A_80 = arith.constant 2 : i32
    %mul3A_81 = arith.muli %mul3A_80, %arg0 : i32
    %add3A_82 = arith.constant 4 : i32
    %add3A_83 = arith.addi %add3A_82, %mul3A_81 : i32
    %add3A_84 = arith.constant 1 : i32
    %add3A_85 = arith.addi %add3A_83, %add3A_84 : i32
    %eq3A_86 = vector.broadcast %add3A_85 : i32 to vector<128x64xi32>
    %eq3A_87 = arith.cmpi eq, %iota3A, %eq3A_86 : vector<128x64xi32>
    %get3A_88 = arith.constant 0 : index
    %get3A_89 = arith.constant 0 : index
    %get3A_90 = vector.load %arg8[%get3A_88, %get3A_89] : memref<128x64xf32, #tpu.memory_space<vmem>>, vector<128x64xf32>
    %jit3A_91 = arith.constant 0.000000e+00 : f32
    %broadcast_in_dim3A_92 = vector.broadcast %jit3A_91 : f32 to vector<128x64xf32>
    %select_n3A_93 = arith.select %eq3A_87, %get3A_90, %broadcast_in_dim3A_92 : vector<128x64xi1>, vector<128x64xf32>
    %reduce_sum3A_94 = arith.constant dense<0.000000e+00> : vector<128xf32>
    %reduce_sum3A_95 = vector.multi_reduction <add>, %select_n3A_93, %reduce_sum3A_94 [1] : vector<128x64xf32> to vector<128xf32>
    %broadcast_in_dim3A_96 = vector.shape_cast %reduce_sum3A_95 : vector<128xf32> to vector<128x1xf32>
    %mul3A_97 = vector.broadcast %broadcast_in_dim3A_96 : vector<128x1xf32> to vector<128x1024xf32>
    %mul3A_98 = arith.mulf %dot_general3A_79, %mul3A_97 : vector<128x1024xf32>
    %add3A_99 = arith.addf %add3A_50, %mul3A_98 : vector<128x1024xf32>
    %get3A_100 = arith.constant 0 : index
    %get3A_101 = arith.constant 0 : index
    %get3A_102 = vector.load %arg7[%get3A_100, %get3A_101] : memref<128x1024xf32, #tpu.memory_space<vmem>>, vector<128x1024xf32>
    %add3A_103 = arith.addf %get3A_102, %add3A_99 : vector<128x1024xf32>
    %swap3A = arith.constant 0 : index
    %swap3A_104 = arith.constant 0 : index
    %swap3A_105 = vector.load %arg7[%swap3A, %swap3A_104] : memref<128x1024xf32, #tpu.memory_space<vmem>>, vector<128x1024xf32>
    tpu.vector_store %arg7[%swap3A, %swap3A_104], %add3A_103 {strides = array<i32>} : memref<128x1024xf32, #tpu.memory_space<vmem>>, vector<128x1024xf32>,
    return
  }
  func.func @transform_0(%arg0: i32) -> (i32, i32) {
    %c0_i32 = arith.constant 0 : i32
    %c0_i32_0 = arith.constant 0 : i32
    %c0_i32_1 = arith.constant 0 : i32
    return %c0_i32, %c0_i32_0 : i32, i32
  }
  func.func @transform_1(%arg0: i32) -> (i32, i32) {
    %c0_i32 = arith.constant 0 : i32
    %c0_i32_0 = arith.constant 0 : i32
    %c0_i32_1 = arith.constant 0 : i32
    return %c0_i32, %c0_i32_0 : i32, i32
  }
  func.func @transform_2(%arg0: i32) -> (i32, i32, i32) {
    %min3A = arith.constant 1 : i32
    %min3A_0 = arith.minsi %arg0, %min3A : i32
    %c0_i32 = arith.constant 0 : i32
    %c0_i32_1 = arith.constant 0 : i32
    %c0_i32_2 = arith.constant 0 : i32
    return %min3A_0, %c0_i32, %c0_i32_1 : i32, i32, i32
  }
  func.func @transform_3(%arg0: i32) -> (i32, i32, i32) {
    %add3A = arith.constant 2 : i32
    %add3A_0 = arith.addi %arg0, %add3A : i32
    %c0_i32 = arith.constant 0 : i32
    %c0_i32_1 = arith.constant 0 : i32
    %c0_i32_2 = arith.constant 0 : i32
    return %add3A_0, %c0_i32, %c0_i32_1 : i32, i32, i32
  }
  func.func @transform_4(%arg0: i32) -> (i32, i32, i32) {
    %add3A = arith.constant 2 : i32
    %add3A_0 = arith.addi %arg0, %add3A : i32
    %c0_i32 = arith.constant 0 : i32
    %c0_i32_1 = arith.constant 0 : i32
    %c0_i32_2 = arith.constant 0 : i32
    return %add3A_0, %c0_i32, %c0_i32_1 : i32, i32, i32
  }
  func.func @transform_5(%arg0: i32) -> (i32, i32, i32) {
    %add3A = arith.constant 2 : i32
    %add3A_0 = arith.addi %arg0, %add3A : i32
    %c0_i32 = arith.constant 0 : i32
    %c0_i32_1 = arith.constant 0 : i32
    %c0_i32_2 = arith.constant 0 : i32
    return %add3A_0, %c0_i32, %c0_i32_1 : i32, i32, i32
  }
  func.func @transform_6(%arg0: i32) -> (i32, i32) {
    %c0_i32 = arith.constant 0 : i32
    %c0_i32_0 = arith.constant 0 : i32
    %c0_i32_1 = arith.constant 0 : i32
    return %c0_i32, %c0_i32_0 : i32, i32
  }
}

</mosaic_0001>

<sc_bundles>
// kernel: kernel.6.cloned.1.call-start
scs
__scs_entry_jumppad:
0x0: {  	(pc) =	sbr.rel $0x88, $3  }
0x1: {  	(tag) =	ssettag $0x0;
	lr =	simm.s32 $0x1  }
0x2: {  	[smem:$0x3F9B] =	sst lr;
	_ =	strace $0xD0000000  }
0x3: {  	_ = 	snop  }
0x4: {  	_ = 	snop  }
0x5: {  	_ = 	snop  }
0x6: {  	_ = 	snop  }
0x7: {  	_ = 	snop  }
__scs_overlays_trampoline_lowered:
0x8: {  	[smem:$0x3FAA] =	sst s0  }
0x9: {  	[smem:$0x3FAB] =	sst s1  }
0xa: {  	[smem:$0x3FAC] =	sst s2  }
0xb: {  	[smem:$0x3FAD] =	sst s3  }
0xc: {  	[smem:$0x3FAE] =	sst s4  }
0xd: {  	[smem:$0x3FAF] =	sst s5  }
0xe: {  	[smem:$0x3FB0] =	sst s6  }
0xf: {  	[smem:$0x3FB1] =	sst s7  }
0x10: {  	[smem:$0x3FB2] =	sst s8  }
0x11: {  	[smem:$0x3FB3] =	sst s9;
	s0 =	simm.s32 @!p0 $0x0  }
0x12: {  	s1 =	sld [smem:$0x3F99];
	s0 =	simm.s32 @p0 $0x1  }
0x13: {  	[smem:$0x3FB4] =	sst s0;
	s0 =	simm.s32 @!p1 $0x0  }
0x14: {  	s2 =	sld [smem:$0x3F98];
	s0 =	simm.s32 @p1 $0x1  }
0x15: {  	[smem:$0x3FB5] =	sst s0;
	s0 =	simm.s32 @!p2 $0x0  }
0x16: {  	s3 =	sld [smem:$0x3FDB];
	s0 =	simm.s32 @p2 $0x1  }
0x17: {  	s4 =	simm.s32 $0x1BF5;
	[smem:$0x3FB7] =	sst s0  }
0x18: {  	s0 =	sld [smem:$0x3F9A];
	_ =	swait.ge [sflag:s4], $0x0  }
0x19: {  	s7 =	sld [smem:$0x3F9B]  }
0x1a: {  	s8 =	sadd.s32 $0xFFFFE003, lr  }
0x1b: {  	s9 =	sadd.s32 $0xFFFFFEF7, lr;
	s5 =	simm.s32 $0xFFFFFFFF;
	p2 =	slt.u32 s8, $0xFFFFF086  }
0x1c: {  	p1 =	slt.u32 s9, $0xF7A;
	s5 =	simm.s32 @!p2 $0x0  }
0x1d: {  	s5 =	simm.s32 @p1 $0x1;
	p0 =	seq.s32 s7, s2  }
0x1e: {  	s7 =	smul.u32 @!p0 $0xF7A, s2;
	p2 =	seq.s32 @!p0 s5, $0x0  }
0x1f: {  	s9 =	smul.u32 $0xF7A, s1;
	s8 =	simm.s32 @!p0 $0x1BF5;
	p2 =	por !p2, p0  }
0x20: {  	[sflag:s8] =	ssyncset.s32 @!p0 $0xFFFFF086;
	s6 =	sadd.s32 @!p0 s3, s7;
	s7 =	simm.s32 @!p0 $0x108  }
0x21: {  	s3 =	sadd.s32 s3, s9;
	s6 =	sadd.s32 @!p0 $0x88, s6;
	s7 =	simm.s32 @p2 $0x1082  }
0x22: {  	[simem:s7], [sflag:s8] =	dma.local @!p0 [hbm:s6], $0xF7A  }
0x23: {  	s9 =	sor.u32 $0xD0000000, s2;
	s6 =	simm.s32 $0x108;
	_ =	swait.ge @!p0 [sflag:s8], $0x0  }
0x24: {  	s3 =	sadd.s32 $0x88, s3;
	s6 =	simm.s32 @!p1 $0x1082;
	[sflag:s4] =	ssyncset.s32 $0xFFFFF086  }
0x25: {  	[simem:s6], [sflag:s4] =	dma.local [hbm:s3], $0xF7A  }
0x26: {  	[smem:$0x3F9B] =	sst s1;
	(tag) =	ssettag s2;
	_ =	strace s9  }
0x27: {  	s1 =	sld [smem:$0x3FAB]  }
0x28: {  	s2 =	sld [smem:$0x3FAC]  }
0x29: {  	s4 =	sld [smem:$0x3FAE]  }
0x2a: {  	p0 =	seq.s32 s5, $0x0;
	s5 =	sld [smem:$0x3FAF]  }
0x2b: {  	s6 =	sld [smem:$0x3FB0]  }
0x2c: {  	s7 =	sld [smem:$0x3FB1]  }
0x2d: {  	s3 =	simm.s32 $0x108;
	s8 =	sld [smem:$0x3FB2]  }
0x2e: {  	s3 =	simm.s32 @!p0 $0x1082;
	s9 =	sld [smem:$0x3FB3]  }
0x2f: {  	lr =	sadd.s32 s0, s3;
	s0 =	sld [smem:$0x3FAA]  }
0x30: {  	s3 =	sld [smem:$0x3FAD]  }
0x31: {  	[smem:$0x3FB6] =	sst s10  }
0x32: {  	s10 =	sld [smem:$0x3FB4];
	_ =	sdelay $0x3  }
0x33: {  	p0 =	seq.s32 s10, $0x1;
	s10 =	sld [smem:$0x3FB6];
	_ =	sdelay $0x3  }
0x34: {  	[smem:$0x3FB6] =	sst s10  }
0x35: {  	s10 =	sld [smem:$0x3FB5];
	_ =	sdelay $0x3  }
0x36: {  	p1 =	seq.s32 s10, $0x1;
	s10 =	sld [smem:$0x3FB6];
	_ =	sdelay $0x3  }
0x37: {  	[smem:$0x3FB6] =	sst s10  }
0x38: {  	s10 =	sld [smem:$0x3FB7]  }
0x39: {  	_ = 	snop;
	(pc) =	sbr.ind lr, $3  }
0x3a: {  	_ = 	snop  }
0x3b: {  	_ = 	snop  }
0x3c: {  	p2 =	seq.s32 s10, $0x1;
	s10 =	sld [smem:$0x3FB6]  }
0x3d: {  	_ =	shalt  }
0x3e: {  	_ =	shalt  }
0x3f: {  	_ =	shalt  }
0x40: {  	_ =	shalt  }
0x41: {  	_ =	shalt  }
0x42: {  	_ =	shalt  }
0x43: {  	_ =	shalt  }
0x44: {  	_ =	shalt  }
0x45: {  	_ =	shalt  }
0x46: {  	_ =	shalt  }
0x47: {  	_ =	shalt  }
0x48: {  	_ =	shalt  }
0x49: {  	_ =	shalt  }
0x4a: {  	_ =	shalt  }
0x4b: {  	_ =	shalt  }
0x4c: {  	_ =	shalt  }
0x4d: {  	_ =	shalt  }
0x4e: {  	_ =	shalt  }
0x4f: {  	_ =	shalt  }
0x50: {  	_ =	shalt  }
0x51: {  	_ =	shalt  }
0x52: {  	_ =	shalt  }
0x53: {  	_ =	shalt  }
0x54: {  	_ =	shalt  }
0x55: {  	_ =	shalt  }
0x56: {  	_ =	shalt  }
0x57: {  	_ =	shalt  }
0x58: {  	_ =	shalt  }
0x59: {  	_ =	shalt  }
0x5a: {  	_ =	shalt  }
0x5b: {  	_ =	shalt  }
0x5c: {  	_ =	shalt  }
0x5d: {  	_ =	shalt  }
0x5e: {  	_ =	shalt  }
0x5f: {  	_ =	shalt  }
0x60: {  	_ =	shalt  }
0x61: {  	_ =	shalt  }
0x62: {  	_ =	shalt  }
0x63: {  	_ =	shalt  }
0x64: {  	_ =	shalt  }
0x65: {  	_ =	shalt  }
0x66: {  	_ =	shalt  }
0x67: {  	_ =	shalt  }
0x68: {  	_ =	shalt  }
0x69: {  	_ =	shalt  }
0x6a: {  	_ =	shalt  }
0x6b: {  	_ =	shalt  }
0x6c: {  	_ =	shalt  }
0x6d: {  	_ =	shalt  }
0x6e: {  	_ =	shalt  }
0x6f: {  	_ =	shalt  }
0x70: {  	_ =	shalt  }
0x71: {  	_ =	shalt  }
0x72: {  	_ =	shalt  }
0x73: {  	_ =	shalt  }
0x74: {  	_ =	shalt  }
0x75: {  	_ =	shalt  }
0x76: {  	_ =	shalt  }
0x77: {  	_ =	shalt  }
0x78: {  	_ =	shalt  }
0x79: {  	_ =	shalt  }
0x7a: {  	_ =	shalt  }
0x7b: {  	_ =	shalt  }
0x7c: {  	_ =	shalt  }
0x7d: {  	_ =	shalt  }
0x7e: {  	_ =	shalt  }
0x7f: {  	_ =	shalt  }
0x80: {  	_ =	shalt  }
0x81: {  	_ =	shalt  }
0x82: {  	_ =	shalt  }
0x83: {  	_ =	shalt  }
0x84: {  	_ =	shalt  }
0x85: {  	_ =	shalt  }
0x86: {  	_ =	shalt  }
0x87: {  	_ =	shalt  }
.Lfunc_end0:
.L_simem_size_0:
called_computation_lowered:
.L_overlay_start_0:
0x88: {  	s2 =	sld [smem:$0x3FD9]  }
0x89: {  	s3 =	sld [smem:$0x3FFE];
	_ =	sdelay $0x1  }
0x8a: {  	s1 =	srdreg.scid  }
0x8b: {  	s0 =	sand.u32 $0x1, s1  }
0x8c: {  	s17 =	sshll.u32 s0, $0xA;
	s2 =	sadd.s32 s3, s2  }
0x8d: {  	s2 =	sadd.s32 s2, s17  }
0x8e: {  	[smem:$0x3FC2] =	sst s2  }
0x8f: {  	_ = 	snop  }
0x90: {  	s2 =	sld [smem:$0x3FD0];
	(tm) =	ssettm $0x1  }
0x91: {  	s18 =	sld [smem:$0x3FFB];
	_ =	sdelay $0x3  }
0x92: {  	_ =	strace s18  }
0x93: {  	s3 =	sld [smem:$0x3FFC];
	_ =	sdelay $0x3  }
0x94: {  	_ =	strace s3  }
0x95: {  	s3 =	sld [smem:$0x3FFD];
	_ =	sdelay $0x3  }
0x96: {  	_ =	strace s3  }
0x97: {  	_ =	strace $0x8FFFFFFF  }
0x98: {  	s19 =	sld [smem:$0x3FDB];
	_ =	sdelay $0x1  }
0x99: {  	s4 =	simm.s32 $_scs_section_size  }
0x9a: {  	s5 =	simm.s32 $_size__tile_overlayer_lowered;
	s6 =	simm.s32 $_tile_overlayer_lowered  }
0x9b: {  	s22 =	simm.s32 $0x1BFF;
	s21 =	sshll.u32 s6, $0x1;
	s3 =	sadd.s32 s4, s19  }
0x9c: {  	s7 =	simm.s32 $0x0;
	s20 =	sshll.u32 s5, $0x1;
	s5 =	sadd.s32 s21, s3  }
0x9d: {  	[timem:s7], [sflag:s22] =	dma.local [hbm:s5], s20  }
0x9e: {  	_ =	swait.ge [sflag:s22], s20  }
0x9f: {  	s4 =	ssub.s32 $0x0, s20;
	[sflag:s22] =	ssyncset.done $0x0  }
0xa0: {  	[sflag:s22] =	ssyncadd.s32 s4;
	_ =	sdelay $0x1  }
0xa1: {  	s23 =	simm.s32 $0x1B8B  }
0xa2: {  	_ =	swait.ge [sflag:s23], $0x1  }
0xa3: {  	[sflag:s23] =	ssyncset.done $0x0  }
0xa4: {  	s25 =	simm.s32 $0x1B8E;
	s24 =	sld [smem:$0x3FFE];
	[sflag:s23] =	ssyncadd.s32 $0xFFFFFFFF  }
0xa5: {  	s26 =	simm.s32 $execute0_lowered;
	[smem:$0x3FD2] =	sst s25  }
0xa6: {  	s5 =	sshll.u32 s26, $0x1;
	_ =	strace $0x80000046;
	[dreg:$0x1] =	wrdreg $0xFFFFFFFF  }
0xa7: {  	s28 =	simm.s32 $_size_execute0_lowered;
	s3 =	sadd.s32 s3, s5;
	[dreg:$0x0] =	wrdreg $0x0  }
0xa8: {  	s5 =	sshll.u32 s28, $0x1;
	[dreg:$0x2] =	wrdreg s3  }
0xa9: {  	[dreg:$0x3] =	wrdreg s5  }
0xaa: {  	[dreg:$0x4] =	wrdreg $0xC0  }
0xab: {  	_ =	task [dreg:s7], $0x5FFFF  }
0xac: {  	[dreg:$0x1] =	wrdreg $0xFFFFFFFF  }
0xad: {  	[dreg:$0x0] =	wrdreg $0x60  }
0xae: {  	[dreg:$0x2] =	wrdreg s2  }
0xaf: {  	[dreg:$0x3] =	wrdreg s24  }
0xb0: {  	[dreg:$0x4] =	wrdreg $0x9  }
0xb1: {  	_ =	task.clear_ibuf [dreg:s7], $0x5FFFF;
	_ =	strace $0x90000046  }
0xb2: {  	s29 =	simm.s32 $0x9;
	_ =	strace $0x80000048  }
0xb3: {  	_ =	swait.ge [sflag:s29], $0x1  }
0xb4: {  	[sflag:s29] =	ssyncadd.s32 $0xFFFFFFFF  }
0xb5: {  	_ =	strace $0x90000048  }
0xb6: {  	_ =	sfence  }
0xb7: {  	s30 =	sld [smem:$0x0];
	_ =	sdelay $0x2  }
0xb8: {  	s31 =	sshll.u32 s1, $0xD;
	s1 =	sshrl.u32 s1, $0x2  }
0xb9: {  	s3 =	sand.u32 $0x4000, s31;
	s1 =	sadd.s32 s1, s30  }
0xba: {  	s0 =	sor.u32 s3, s0;
	s1 =	sshll.u32 s1, $0x11  }
0xbb: {  	s0 =	sor.u32 s1, s0  }
0xbc: {  	s0 =	sadd.s32 $0x8F2B, s0  }
0xbd: {  	[sflag:s0] =	ssyncadd.remote.s32 $0x1  }
0xbe: {  	_ =	sfence.sel $0xFFFF  }
0xbf: {  	[dreg:$0x0] =	wrdreg $0xFFFFFFFF;
	(pc) =	sbr.abs _section_cstart, $3  }
0xc0: {  	[dreg:$0x1] =	wrdreg $0xFFFFFFFF  }
0xc1: {  	_ =	task.clear_ibuf [dreg:s7], $0x2FFFF;
	_ =	strace $0x9FFFFFFF  }
0xc2: {  	(tm) =	ssettm $0x7FFFFFFF  }
0xc3: {  	_ =	shalt  }
tec
execute0_lowered:
.L_overlay_start_1:
0x0: {  	(tag) =	ssettag $0x1  }
0x1: {  	s1 =	stileid.u32  }
0x2: {  	p0 =	sgt.u32 s1, $0x3  }
.Ltmp0:
0x3: {  	_ = 	snop;
	(pc) =	sbr.rel @p0 .LBB2_17-.Ltmp0, $4  }
0x4: {  	s5 =	rddreg [dreg:$0x0]  }
0x5: {  	s3 =	rddreg [dreg:$0x1];
	s2 =	simm.s32 $0x0  }
0x6: {  	[smem:$0x7FF] =	sst s2  }
0x7: {  	s0 =	rddreg [dreg:$0x2];
	_ =	strace $0x80000047  }
0x8: {  	s4 =	srdreg.scid  }
0x9: {  	s6 =	sshll.u32 s1, $0x1;
	s4 =	sand.u32 $0x1, s4  }
0xa: {  	s10 =	simm.s32 $0x400;
	s6 =	sor.u32 s4, s6  }
0xb: {  	s11 =	simm.s32 $0x6000;
	s9 =	ssub.s32 $0x2, s4;
	s7 =	sshll.u32 s6, $0xA  }
0xc: {  	s6 =	sshll.u32 s6, $0x4;
	s31 =	sshrl.u32 s9, $0x1;
	s8 =	sadd.s32 s7, s3  }
0xd: {  	s30 =	sadd.s32 s6, s3;
	s6 =	ssub.s32 s9, s31;
	s5 =	sadd.s32 s5, s7  }
0xe: {  	s7 =	simm.s32 $0x1;
	s9 =	simm.s32 $0x80;
	s3 =	sadd.s32 $0x1000, s8  }
0xf: {  	v0 =	vimm.f32 $0.0e+00;
	s4 =	sadd.s32 $0x3000, s30;
	s6 =	smax.u32 s6, $0x1;
	s8 =	simm.s32 $0x2000  }
.LBB2_2:
0x10: {  	s12 =	simm.s32 $0x0  }
0x11: {  	[tilespmem:s12], [sflag:$0x1] =	stream.linear.gather [hbm4b:s5+s12], $0x2000, $0x38;
	[tilespmem:$0x8800] =	vst v63  }
0x12: {  	_ =	swait.ge [sflag:s7], $0x2000  }
0x13: {  	[sflag:s7] =	ssyncset.done $0x0  }
0x14: {  	[sflag:s7] =	ssyncadd.s32 $0xFFFFE000  }
0x15: {  	[tilespmem:s8], [sflag:$0x1] =	stream.linear.gather [hbm4b:s3+s12], $0x2000, $0x38;
	[tilespmem:$0x8800] =	vst v63  }
0x16: {  	_ =	swait.ge [sflag:s7], $0x2000  }
0x17: {  	[sflag:s7] =	ssyncset.done $0x0  }
0x18: {  	s12 =	simm.s32 $0x2200;
	[sflag:s7] =	ssyncadd.s32 $0xFFFFE000  }
0x19: {  	v1 =	vld [tilespmem:s12+$0xFFFFFE00];
	_ =	sdelay $0x1  }
0x1a: {  	v2 =	vld [tilespmem:s12+$0xFFFFFE80];
	_ =	sdelay $0x1  }
0x1b: {  	v3 =	vld [tilespmem:s12+$0xFFFFFF00]  }
0x1c: {  	vm0 =	vgt.f32 v1, $-Inf  }
0x1d: {  	v5 =	vld [tilespmem:s12+$0xFFFFFF80];
	v4 =	vsel vm0, $0xFF800000, v1  }
0x1e: {  	vm9 =	vgt.f32 v2, v1;
	v4 =	vmax.f32 v4, v2  }
0x1f: {  	v62 =	vld [tilespmem:s12+$0x0];
	v2 =	vmax.f32 v1, v2;
	v1 =	vsel vm9, v1, v4  }
0x20: {  	vm10 =	vgt.f32 v3, v2;
	v1 =	vmax.f32 v1, v3  }
0x21: {  	v3 =	vmax.f32 v2, v3;
	v1 =	vsel vm10, v2, v1;
	v2 =	vld [tilespmem:s12+$0x80]  }
0x22: {  	vm11 =	vgt.f32 v5, v3;
	v1 =	vmax.f32 v1, v5  }
0x23: {  	v5 =	vmax.f32 v3, v5;
	v1 =	vsel vm11, v3, v1;
	v3 =	vld [tilespmem:s12+$0x100]  }
0x24: {  	vm12 =	vgt.f32 v62, v5;
	v1 =	vmax.f32 v1, v62  }
0x25: {  	v63 =	vld [tilespmem:s12+$0x180];
	v4 =	vmax.f32 v5, v62;
	v1 =	vsel vm12, v5, v1  }
0x26: {  	vm13 =	vgt.f32 v2, v4;
	v1 =	vmax.f32 v1, v2  }
0x27: {  	v2 =	vmax.f32 v4, v2;
	v1 =	vsel vm13, v4, v1  }
0x28: {  	vm14 =	vgt.f32 v3, v2;
	v1 =	vmax.f32 v1, v3  }
0x29: {  	v3 =	vmax.f32 v2, v3;
	v1 =	vsel vm14, v2, v1  }
0x2a: {  	vm15 =	vgt.f32 v63, v3;
	v1 =	vmax.f32 v1, v63  }
0x2b: {  	s14 =	simm.s32 $0x0;
	v2 =	vmax.f32 v3, v63;
	v1 =	vsel vm15, v3, v1  }
0x2c: {  	s13 =	simm.s32 $0x200;
	[tilespmem:s14+$0x8400] =	vst v0;
	v1 =	vadd.f32 v1, v2  }
.LBB2_3:
0x2d: {  	p0 =	sne.s32 s13, $0xE00  }
0x2e: {  	s12 =	sadd.s32 $0x400, s12;
	[tilespmem:s14+$0x8000] =	vst v1;
	s14 =	smov.u32 s13;
	s13 =	sadd.s32 $0x200, s13  }
0x2f: {  	v1 =	vld [tilespmem:s12+$0xFFFFFE00];
	_ =	sdelay $0x1  }
0x30: {  	v2 =	vld [tilespmem:s12+$0xFFFFFE80];
	_ =	sdelay $0x1  }
0x31: {  	v3 =	vld [tilespmem:s12+$0xFFFFFF00]  }
0x32: {  	vm0 =	vgt.f32 v1, $-Inf  }
0x33: {  	v4 =	vsel vm0, $0xFF800000, v1;
	v5 =	vld [tilespmem:s12+$0xFFFFFF80]  }
0x34: {  	vm0 =	vgt.f32 v2, v1;
	v6 =	vmax.f32 v1, v2;
	v2 =	vmax.f32 v4, v2  }
0x35: {  	v1 =	vsel vm0, v1, v2;
	v2 =	vld [tilespmem:s12+$0x0]  }
0x36: {  	vm0 =	vgt.f32 v3, v6;
	v1 =	vmax.f32 v1, v3  }
0x37: {  	v3 =	vmax.f32 v6, v3;
	v1 =	vsel vm0, v6, v1;
	v4 =	vld [tilespmem:s12+$0x80]  }
0x38: {  	vm0 =	vgt.f32 v5, v3;
	v1 =	vmax.f32 v1, v5  }
0x39: {  	v5 =	vmax.f32 v3, v5;
	v1 =	vsel vm0, v3, v1;
	v3 =	vld [tilespmem:s12+$0x100]  }
0x3a: {  	vm0 =	vgt.f32 v2, v5;
	v1 =	vmax.f32 v1, v2  }
0x3b: {  	s14 =	sshra.s32 s14, $0x2;
	v2 =	vmax.f32 v5, v2;
	v1 =	vsel vm0, v5, v1;
	v5 =	vld [tilespmem:s12+$0x180]  }
0x3c: {  	vm0 =	vgt.f32 v4, v2;
	v1 =	vmax.f32 v1, v4;
	[tilespmem:s14+$0x8400] =	vst v0  }
0x3d: {  	v4 =	vmax.f32 v2, v4;
	v1 =	vsel vm0, v2, v1  }
.Ltmp1:
0x3e: {  	vm0 =	vgt.f32 v3, v4;
	v1 =	vmax.f32 v1, v3;
	(pc) =	sbr.rel @p0 .LBB2_3-.Ltmp1, $4  }
0x3f: {  	v2 =	vmax.f32 v4, v3;
	v1 =	vsel vm0, v4, v1  }
0x40: {  	vm0 =	vgt.f32 v5, v2;
	v1 =	vmax.f32 v1, v5  }
0x41: {  	v3 =	vmax.f32 v2, v5;
	v1 =	vsel vm0, v2, v1  }
0x42: {  	v1 =	vadd.f32 v1, v3  }
0x43: {  	_ = 	snop  }
0x44: {  	[tilespmem:s14+$0x8000] =	vst v1  }
0x45: {  	v1 =	vld [tilespmem:$0x8480]  }
0x46: {  	v2 =	vld [tilespmem:$0x8400]  }
0x47: {  	v3 =	vld [tilespmem:$0x8000]  }
0x48: {  	v4 =	vld [tilespmem:$0x8080]  }
0x49: {  	v5 =	vld [tilespmem:$0x8500]  }
0x4a: {  	v6 =	vld [tilespmem:$0x8100]  }
0x4b: {  	v7 =	vld [tilespmem:$0x8580];
	vm0 =	vgt.f32 v2, $0.0e+00  }
0x4c: {  	v8 =	vld [tilespmem:$0x8180];
	v3 =	vsel vm0, $0xFF800000, v3  }
0x4d: {  	v9 =	vld [tilespmem:$0x8600];
	vm5 =	vgt.f32 v1, $0.0e+00;
	v4 =	vmax.f32 v3, v4  }
0x4e: {  	v10 =	vld [tilespmem:$0x8200];
	v4 =	vsel vm5, v3, v4  }
0x4f: {  	v11 =	vld [tilespmem:$0x8680];
	vm4 =	vgt.f32 v5, $0.0e+00;
	v6 =	vmax.f32 v4, v6  }
0x50: {  	v4 =	vsel vm4, v4, v6;
	v6 =	vld [tilespmem:$0x8280]  }
0x51: {  	v12 =	vld [tilespmem:$0x8300];
	vm3 =	vgt.f32 v7, $0.0e+00;
	v8 =	vmax.f32 v4, v8  }
0x52: {  	v13 =	vld [tilespmem:$0x8700];
	v4 =	vsel vm3, v4, v8  }
0x53: {  	v14 =	vld [tilespmem:$0x8780];
	vm1 =	vgt.f32 v9, $0.0e+00;
	v10 =	vmax.f32 v4, v10  }
0x54: {  	v8 =	vld [tilespmem:$0x8380];
	v4 =	vsel vm1, v4, v10  }
0x55: {  	vm0 =	vgt.f32 v11, $0.0e+00;
	v6 =	vmax.f32 v4, v6  }
0x56: {  	v10 =	vld [tilespmem:$0x8080];
	v4 =	vsel vm0, v4, v6  }
0x57: {  	vm2 =	vgt.f32 v13, $0.0e+00;
	v6 =	vmax.f32 v4, v12  }
0x58: {  	v4 =	vsel vm2, v4, v6  }
0x59: {  	vm6 =	vgt.f32 v14, $0.0e+00;
	v6 =	vmax.f32 v4, v8  }
0x5a: {  	v4 =	vsel vm6, v4, v6;
	v6 =	vld [tilespmem:$0x8100]  }
0x5b: {  	v10 =	vsel vm5, $0xFF800000, v10;
	vm7 =	veq.f32 v3, v4  }
0x5c: {  	vm5 =	veq.f32 v10, v4;
	v10 =	vld [tilespmem:$0x8180];
	v8 =	vsel vm7, $0x3F800000, v0  }
0x5d: {  	v3 =	vld [tilespmem:$0x8380];
	vm8 =	veq.f32 v8, $0.0e+00  }
0x5e: {  	vm5 =	vmand vm8, vm5  }
0x5f: {  	v15 =	vld [tilespmem:$0x8200];
	v8 =	vsel vm5, $0x3F800000, v8;
	v6 =	vsel vm4, $0xFF800000, v6  }
0x60: {  	v12 =	vld [tilespmem:$0x8300];
	v1 =	vsel vm5, $0x3F800000, v1;
	vm4 =	veq.f32 v6, v4;
	vm5 =	veq.f32 v8, $0.0e+00  }
0x61: {  	v2 =	vsel vm7, $0x3F800000, v2;
	[tilespmem:$0x8480] =	vst v1;
	v6 =	vsel vm3, $0xFF800000, v10;
	v10 =	vld [tilespmem:$0x8280];
	vm4 =	vmand vm5, vm4  }
0x62: {  	[tilespmem:$0x8400] =	vst v2;
	v3 =	vsel vm6, $0xFF800000, v3;
	v1 =	vld [tilespmem:$0x8480];
	v8 =	vsel vm4, $0x3F800000, v8  }
0x63: {  	vm11 =	veq.f32 v6, v4;
	v6 =	vld [tilespmem:$0x8400];
	v2 =	vsel vm4, $0x3F800000, v5;
	vm12 =	veq.f32 v8, $0.0e+00  }
0x64: {  	vm3 =	veq.f32 v3, v4;
	v5 =	vld [tilespmem:$0x8000];
	[tilespmem:$0x8500] =	vst v2;
	vm4 =	vmand vm12, vm11  }
0x65: {  	v2 =	vld [tilespmem:$0x8500];
	v3 =	vsel vm4, $0x3F800000, v7;
	v8 =	vsel vm4, $0x3F800000, v8;
	v7 =	vsel vm1, $0xFF800000, v15  }
0x66: {  	v12 =	vsel vm2, $0xFF800000, v12;
	v15 =	vld [tilespmem:$0x8080];
	vm1 =	veq.f32 v7, v4;
	vm4 =	veq.f32 v8, $0.0e+00  }
0x67: {  	vm2 =	vne.f32 v12, v4;
	v12 =	vld [tilespmem:$0x8100];
	v10 =	vsel vm0, $0xFF800000, v10;
	vm1 =	vmand vm4, vm1  }
0x68: {  	v7 =	vld [tilespmem:$0x8300];
	vm13 =	veq.f32 v10, v4;
	vm0 =	vgt.f32 v6, $0.0e+00;
	v16 =	vsel vm1, $0x3F800000, v8  }
0x69: {  	[tilespmem:$0x8580] =	vst v3;
	v10 =	vld [tilespmem:$0x8180];
	v9 =	vsel vm1, $0x3F800000, v9;
	vm1 =	vgt.f32 v1, $0.0e+00;
	vm14 =	veq.f32 v16, $0.0e+00  }
0x6a: {  	v3 =	vld [tilespmem:$0x8580];
	v8 =	vsel vm0, $0xFF800000, v5;
	vm0 =	vgt.f32 v2, $0.0e+00;
	vm4 =	vmand vm14, vm13  }
0x6b: {  	[tilespmem:$0x8600] =	vst v9;
	v9 =	vld [tilespmem:$0x8200];
	v5 =	vmax.f32 v8, v15;
	v11 =	vsel vm4, $0x3F800000, v11;
	v15 =	vsel vm4, $0x3F800000, v16  }
0x6c: {  	v4 =	vld [tilespmem:$0x8600];
	v63 =	vsel vm1, v8, v5;
	[tilespmem:$0x8680] =	vst v11;
	vm4 =	vne.f32 v15, $0.0e+00;
	vm15 =	veq.f32 v15, $0.0e+00  }
0x6d: {  	v11 =	vmax.f32 v63, v12;
	v5 =	vld [tilespmem:$0x8680];
	vm4 =	vmor vm4, vm2;
	vm3 =	vmand vm15, vm3  }
0x6e: {  	v12 =	vsel vm0, v63, v11;
	v11 =	vld [tilespmem:$0x8280];
	v15 =	vnsel vm4, $0x3F800000, v13;
	vm3 =	vmand vm3, vm2  }
0x6f: {  	s12 =	simm.s32 $0x2;
	vm2 =	vgt.f32 v3, $0.0e+00;
	v13 =	vmax.f32 v12, v10;
	v10 =	vld [tilespmem:$0x8380];
	[tilespmem:$0x8700] =	vst v15;
	v14 =	vsel vm3, $0x3F800000, v14  }
.LBB2_5:
0x70: {  	p0 =	sne.s32 s12, $0x1;
	s12 =	sadd.s32 $0xFFFFFFFF, s12;
	v12 =	vsel vm2, v12, v13;
	v13 =	vld [tilespmem:$0x8700];
	[tilespmem:$0x8780] =	vst v14  }
0x71: {  	vm5 =	vgt.f32 v4, $0.0e+00;
	v14 =	vld [tilespmem:$0x8300];
	v9 =	vmax.f32 v12, v9  }
0x72: {  	v9 =	vsel vm5, v12, v9;
	v15 =	vld [tilespmem:$0x8780]  }
0x73: {  	vm4 =	vgt.f32 v5, $0.0e+00;
	v11 =	vmax.f32 v9, v11;
	v12 =	vld [tilespmem:$0x8380]  }
0x74: {  	v9 =	vsel vm4, v9, v11  }
0x75: {  	vm6 =	vgt.f32 v13, $0.0e+00;
	v16 =	vmax.f32 v9, v7;
	v11 =	vld [tilespmem:$0x8080]  }
0x76: {  	v9 =	vsel vm6, v9, v16;
	v7 =	vmov v14  }
0x77: {  	vm3 =	vgt.f32 v15, $0.0e+00;
	v10 =	vmax.f32 v9, v10  }
0x78: {  	v9 =	vsel vm3, v9, v10;
	v10 =	vld [tilespmem:$0x8100];
	v12 =	vsel vm3, $0xFF800000, v12  }
0x79: {  	vm7 =	veq.f32 v8, v9;
	vm3 =	veq.f32 v12, v9  }
0x7a: {  	v6 =	vsel vm7, $0x3F800000, v6;
	v8 =	vsel vm7, $0x3F800000, v0;
	v11 =	vsel vm1, $0xFF800000, v11  }
0x7b: {  	[tilespmem:$0x8400] =	vst v6;
	vm1 =	veq.f32 v11, v9;
	vm7 =	veq.f32 v8, $0.0e+00;
	v6 =	vld [tilespmem:$0x8180]  }
0x7c: {  	vm1 =	vmand vm7, vm1  }
0x7d: {  	v1 =	vsel vm1, $0x3F800000, v1;
	v8 =	vsel vm1, $0x3F800000, v8;
	v10 =	vsel vm0, $0xFF800000, v10;
	v11 =	vld [tilespmem:$0x8300]  }
0x7e: {  	[tilespmem:$0x8480] =	vst v1;
	vm0 =	veq.f32 v10, v9;
	vm1 =	veq.f32 v8, $0.0e+00;
	v10 =	vld [tilespmem:$0x8200]  }
0x7f: {  	v1 =	vld [tilespmem:$0x8480];
	vm0 =	vmand vm1, vm0  }
0x80: {  	v2 =	vsel vm0, $0x3F800000, v2;
	v8 =	vsel vm0, $0x3F800000, v8;
	v6 =	vsel vm2, $0xFF800000, v6;
	v12 =	vld [tilespmem:$0x8280]  }
0x81: {  	v14 =	vld [tilespmem:$0x8000];
	[tilespmem:$0x8500] =	vst v2;
	vm0 =	veq.f32 v6, v9;
	vm1 =	veq.f32 v8, $0.0e+00  }
0x82: {  	v6 =	vld [tilespmem:$0x8400];
	vm0 =	vmand vm1, vm0  }
0x83: {  	v2 =	vld [tilespmem:$0x8500];
	v3 =	vsel vm0, $0x3F800000, v3;
	v8 =	vsel vm0, $0x3F800000, v8;
	v10 =	vsel vm5, $0xFF800000, v10  }
0x84: {  	v16 =	vld [tilespmem:$0x8080];
	[tilespmem:$0x8580] =	vst v3;
	vm0 =	veq.f32 v10, v9;
	vm1 =	veq.f32 v8, $0.0e+00;
	v10 =	vsel vm6, $0xFF800000, v11  }
0x85: {  	v3 =	vld [tilespmem:$0x8580];
	vm0 =	vmand vm1, vm0;
	v11 =	vsel vm4, $0xFF800000, v12;
	vm2 =	vne.f32 v10, v9  }
0x86: {  	v10 =	vld [tilespmem:$0x8100];
	v4 =	vsel vm0, $0x3F800000, v4;
	v12 =	vsel vm0, $0x3F800000, v8;
	vm4 =	veq.f32 v11, v9  }
0x87: {  	vm1 =	vgt.f32 v1, $0.0e+00;
	vm0 =	vgt.f32 v6, $0.0e+00;
	v17 =	vld [tilespmem:$0x8180];
	[tilespmem:$0x8600] =	vst v4;
	vm5 =	veq.f32 v12, $0.0e+00  }
0x88: {  	v8 =	vsel vm0, $0xFF800000, v14;
	vm0 =	vgt.f32 v2, $0.0e+00;
	v4 =	vld [tilespmem:$0x8600];
	vm4 =	vmand vm5, vm4  }
.Ltmp2:
0x89: {  	v9 =	vmax.f32 v8, v16;
	v5 =	vsel vm4, $0x3F800000, v5;
	v11 =	vsel vm4, $0x3F800000, v12;
	(pc) =	sbr.rel @p0 .LBB2_5-.Ltmp2, $4  }
0x8a: {  	v12 =	vsel vm1, v8, v9;
	v9 =	vld [tilespmem:$0x8200];
	[tilespmem:$0x8680] =	vst v5;
	vm4 =	vne.f32 v11, $0.0e+00;
	vm5 =	veq.f32 v11, $0.0e+00  }
0x8b: {  	v10 =	vmax.f32 v12, v10;
	v5 =	vld [tilespmem:$0x8680];
	vm4 =	vmor vm4, vm2;
	vm3 =	vmand vm5, vm3  }
0x8c: {  	v12 =	vsel vm0, v12, v10;
	v11 =	vld [tilespmem:$0x8280];
	v14 =	vnsel vm4, $0x3F800000, v13;
	vm3 =	vmand vm3, vm2  }
0x8d: {  	vm2 =	vgt.f32 v3, $0.0e+00;
	v13 =	vmax.f32 v12, v17;
	v10 =	vld [tilespmem:$0x8380];
	[tilespmem:$0x8700] =	vst v14;
	v14 =	vsel vm3, $0x3F800000, v15  }
0x8e: {  	v12 =	vsel vm2, v12, v13;
	v53 =	vld [tilespmem:$0x8700]  }
0x8f: {  	[tilespmem:$0x8780] =	vst v14;
	vm5 =	vgt.f32 v4, $0.0e+00;
	v9 =	vmax.f32 v12, v9  }
0x90: {  	v54 =	vld [tilespmem:$0x8780];
	v9 =	vsel vm5, v12, v9  }
0x91: {  	vm4 =	vgt.f32 v5, $0.0e+00;
	v11 =	vmax.f32 v9, v11  }
0x92: {  	v9 =	vsel vm4, v9, v11  }
0x93: {  	v55 =	vld [tilespmem:$0x8080];
	vm3 =	vgt.f32 v53, $0.0e+00;
	v7 =	vmax.f32 v9, v7  }
0x94: {  	v7 =	vsel vm3, v9, v7  }
0x95: {  	vm6 =	vgt.f32 v54, $0.0e+00;
	v9 =	vmax.f32 v7, v10  }
0x96: {  	v56 =	vld [tilespmem:$0x8100];
	v7 =	vsel vm6, v7, v9  }
0x97: {  	vm7 =	veq.f32 v8, v7  }
0x98: {  	v57 =	vsel vm1, $0xFF800000, v55;
	v8 =	vsel vm7, $0x3F800000, v0  }
0x99: {  	v58 =	vld [tilespmem:$0x8180];
	vm1 =	veq.f32 v57, v7;
	vm8 =	veq.f32 v8, $0.0e+00  }
0x9a: {  	vm1 =	vmand vm8, vm1  }
0x9b: {  	v9 =	vsel vm0, $0xFF800000, v56;
	v8 =	vsel vm1, $0x3F800000, v8  }
0x9c: {  	v59 =	vld [tilespmem:$0x8200];
	vm0 =	veq.f32 v9, v7;
	vm15 =	veq.f32 v8, $0.0e+00  }
0x9d: {  	v60 =	vld [tilespmem:$0x8380];
	vm0 =	vmand vm15, vm0  }
0x9e: {  	v61 =	vld [tilespmem:$0x8280];
	v10 =	vsel vm2, $0xFF800000, v58;
	v8 =	vsel vm0, $0x3F800000, v8  }
0x9f: {  	vm2 =	veq.f32 v10, v7;
	vm12 =	veq.f32 v8, $0.0e+00  }
0xa0: {  	vm2 =	vmand vm12, vm2  }
0xa1: {  	v62 =	vld [tilespmem:$0x8300];
	v9 =	vsel vm5, $0xFF800000, v59;
	v8 =	vsel vm2, $0x3F800000, v8  }
0xa2: {  	vm5 =	veq.f32 v9, v7;
	vm13 =	veq.f32 v8, $0.0e+00  }
0xa3: {  	v63 =	vsel vm4, $0xFF800000, v61;
	v11 =	vsel vm6, $0xFF800000, v60;
	vm5 =	vmand vm13, vm5  }
0xa4: {  	vm14 =	veq.f32 v11, v7;
	v6 =	vsel vm7, $0x3F800000, v6;
	v8 =	vsel vm5, $0x3F800000, v8  }
0xa5: {  	[tilespmem:$0x8400] =	vst v6;
	v1 =	vsel vm1, $0x3F800000, v1;
	vm1 =	veq.f32 v63, v7;
	vm15 =	veq.f32 v8, $0.0e+00  }
0xa6: {  	[tilespmem:$0x8480] =	vst v1;
	v1 =	vsel vm0, $0x3F800000, v2;
	v2 =	vsel vm3, $0xFF800000, v62;
	vm0 =	vmand vm15, vm1  }
0xa7: {  	[tilespmem:$0x8500] =	vst v1;
	v1 =	vsel vm2, $0x3F800000, v3;
	vm1 =	vne.f32 v2, v7;
	v2 =	vsel vm0, $0x3F800000, v8  }
0xa8: {  	[tilespmem:$0x8580] =	vst v1;
	v1 =	vsel vm5, $0x3F800000, v4;
	vm2 =	vne.f32 v2, $0.0e+00;
	vm3 =	veq.f32 v2, $0.0e+00  }
0xa9: {  	[tilespmem:$0x8600] =	vst v1;
	v1 =	vsel vm0, $0x3F800000, v5;
	vm0 =	vmor vm2, vm1;
	vm2 =	vmand vm3, vm14  }
0xaa: {  	s12 =	simm.s32 $0x0;
	[tilespmem:$0x8680] =	vst v1;
	v1 =	vnsel vm0, $0x3F800000, v53;
	vm0 =	vmand vm2, vm1  }
0xab: {  	s13 =	sand.u32 $0xE00, s12;
	[tilespmem:$0x8700] =	vst v1;
	v1 =	vsel vm0, $0x3F800000, v54  }
0xac: {  	s15 =	sshrl.u32 s13, $0x2;
	[tilespmem:$0x8780] =	vst v1  }
0xad: {  	s13 =	simm.s32 $0x2100;
	v1 =	vld [tilespmem:s15+$0x8400]  }
0xae: {  	v2 =	vld [tilespmem:s13+$0xFFFFFF00];
	_ =	sdelay $0x3  }
0xaf: {  	vm0 =	vgt.f32 v1, $0.0e+00  }
0xb0: {  	s14 =	simm.s32 $0x4100;
	v1 =	vnsel vm0, $0xFF800000, v2  }
0xb1: {  	[tilespmem:s14+$0xFFFFFF00] =	vst v1  }
0xb2: {  	v1 =	vld [tilespmem:s15+$0x8400]  }
0xb3: {  	v2 =	vld [tilespmem:s13+$0xFFFFFF80];
	_ =	sdelay $0x3  }
0xb4: {  	vm0 =	vgt.f32 v1, $0.0e+00  }
0xb5: {  	v1 =	vnsel vm0, $0xFF800000, v2  }
0xb6: {  	[tilespmem:s14+$0xFFFFFF80] =	vst v1  }
0xb7: {  	v1 =	vld [tilespmem:s15+$0x8400]  }
0xb8: {  	v2 =	vld [tilespmem:s13+$0x0];
	_ =	sdelay $0x3  }
0xb9: {  	vm0 =	vgt.f32 v1, $0.0e+00  }
0xba: {  	v1 =	vnsel vm0, $0xFF800000, v2  }
0xbb: {  	[tilespmem:s14+$0x0] =	vst v1  }
0xbc: {  	v2 =	vld [tilespmem:s15+$0x8400]  }
0xbd: {  	v1 =	vld [tilespmem:s13+$0x80];
	_ =	sdelay $0x3  }
0xbe: {  	s16 =	simm.s32 $0x100;
	s15 =	simm.s32 $0x0;
	vm0 =	vgt.f32 v2, $0.0e+00  }
.LBB2_7:
0xbf: {  	s17 =	sand.u32 $0xE00, s16;
	s15 =	sadd.s32 $0x4, s15;
	v1 =	vnsel vm0, $0xFF800000, v1  }
0xc0: {  	s17 =	sshrl.u32 s17, $0x2;
	p0 =	slt.u32 s15, $0x3C;
	[tilespmem:s14+$0x80] =	vst v1  }
0xc1: {  	s13 =	sadd.s32 $0x200, s13;
	v1 =	vld [tilespmem:s17+$0x8400]  }
0xc2: {  	v2 =	vld [tilespmem:s13+$0xFFFFFF00];
	_ =	sdelay $0x3  }
0xc3: {  	vm0 =	vgt.f32 v1, $0.0e+00  }
0xc4: {  	s14 =	sadd.s32 $0x200, s14;
	v1 =	vnsel vm0, $0xFF800000, v2  }
0xc5: {  	[tilespmem:s14+$0xFFFFFF00] =	vst v1  }
0xc6: {  	v1 =	vld [tilespmem:s17+$0x8400]  }
0xc7: {  	v2 =	vld [tilespmem:s13+$0xFFFFFF80];
	_ =	sdelay $0x3  }
0xc8: {  	vm0 =	vgt.f32 v1, $0.0e+00  }
0xc9: {  	v1 =	vnsel vm0, $0xFF800000, v2  }
0xca: {  	[tilespmem:s14+$0xFFFFFF80] =	vst v1  }
0xcb: {  	v1 =	vld [tilespmem:s17+$0x8400]  }
0xcc: {  	v2 =	vld [tilespmem:s13+$0x0];
	_ =	sdelay $0x3  }
0xcd: {  	vm0 =	vgt.f32 v1, $0.0e+00  }
0xce: {  	v1 =	vnsel vm0, $0xFF800000, v2  }
0xcf: {  	[tilespmem:s14+$0x0] =	vst v1  }
0xd0: {  	v2 =	vld [tilespmem:s17+$0x8400]  }
.Ltmp3:
0xd1: {  	v1 =	vld [tilespmem:s13+$0x80];
	(pc) =	sbr.rel @p0 .LBB2_7-.Ltmp3, $2  }
0xd2: {  	_ =	sdelay $0x2  }
0xd3: {  	s16 =	sadd.s32 $0x100, s16;
	vm0 =	vgt.f32 v2, $0.0e+00  }
0xd4: {  	v1 =	vnsel vm0, $0xFF800000, v1  }
0xd5: {  	[tilespmem:s14+$0x80] =	vst v1  }
.LBB2_9:
0xd6: {  	v1 =	vld [tilespmem:$0x4000]  }
0xd7: {  	v2 =	vld [tilespmem:$0x4080]  }
0xd8: {  	v3 =	vld [tilespmem:$0x4100]  }
0xd9: {  	v4 =	vld [tilespmem:$0x4180]  }
0xda: {  	v5 =	vld [tilespmem:$0x4200]  }
0xdb: {  	v6 =	vld [tilespmem:$0x4280]  }
0xdc: {  	v1 =	vmax.f32 v1, v2;
	v2 =	vld [tilespmem:$0x4300]  }
0xdd: {  	v1 =	vmax.f32 v1, v3;
	v3 =	vld [tilespmem:$0x4380]  }
0xde: {  	v1 =	vmax.f32 v1, v4;
	v4 =	vld [tilespmem:$0x4400]  }
0xdf: {  	v1 =	vmax.f32 v1, v5;
	v5 =	vld [tilespmem:$0x4480]  }
0xe0: {  	v1 =	vmax.f32 v1, v6;
	v6 =	vld [tilespmem:$0x4500]  }
0xe1: {  	v1 =	vmax.f32 v1, v2;
	v2 =	vld [tilespmem:$0x4580]  }
0xe2: {  	v1 =	vmax.f32 v1, v3;
	v3 =	vld [tilespmem:$0x4600]  }
0xe3: {  	v1 =	vmax.f32 v1, v4;
	v4 =	vld [tilespmem:$0x4680]  }
0xe4: {  	v1 =	vmax.f32 v1, v5;
	v5 =	vld [tilespmem:$0x4700]  }
0xe5: {  	v1 =	vmax.f32 v1, v6;
	v6 =	vld [tilespmem:$0x4780]  }
0xe6: {  	v1 =	vmax.f32 v1, v2;
	v2 =	vld [tilespmem:$0x4800]  }
0xe7: {  	v1 =	vmax.f32 v1, v3;
	v3 =	vld [tilespmem:$0x4880]  }
0xe8: {  	v1 =	vmax.f32 v1, v4;
	v4 =	vld [tilespmem:$0x4900]  }
0xe9: {  	v1 =	vmax.f32 v1, v5;
	v5 =	vld [tilespmem:$0x4980]  }
0xea: {  	v1 =	vmax.f32 v1, v6;
	v6 =	vld [tilespmem:$0x4A00]  }
0xeb: {  	v1 =	vmax.f32 v1, v2;
	v2 =	vld [tilespmem:$0x4A80]  }
0xec: {  	v1 =	vmax.f32 v1, v3;
	v3 =	vld [tilespmem:$0x4B00]  }
0xed: {  	v1 =	vmax.f32 v1, v4;
	v4 =	vld [tilespmem:$0x4B80]  }
0xee: {  	v1 =	vmax.f32 v1, v5;
	v5 =	vld [tilespmem:$0x4C00]  }
0xef: {  	v1 =	vmax.f32 v1, v6;
	v6 =	vld [tilespmem:$0x4C80]  }
0xf0: {  	v1 =	vmax.f32 v1, v2;
	v2 =	vld [tilespmem:$0x4D00]  }
0xf1: {  	v1 =	vmax.f32 v1, v3;
	v3 =	vld [tilespmem:$0x4D80]  }
0xf2: {  	v1 =	vmax.f32 v1, v4;
	v4 =	vld [tilespmem:$0x4E00]  }
0xf3: {  	v1 =	vmax.f32 v1, v5;
	v5 =	vld [tilespmem:$0x4E80]  }
0xf4: {  	v1 =	vmax.f32 v1, v6;
	v6 =	vld [tilespmem:$0x4F00]  }
0xf5: {  	v1 =	vmax.f32 v1, v2;
	v2 =	vld [tilespmem:$0x4F80]  }
0xf6: {  	v1 =	vmax.f32 v1, v3;
	v3 =	vld [tilespmem:$0x5000]  }
0xf7: {  	v1 =	vmax.f32 v1, v4;
	v4 =	vld [tilespmem:$0x5080]  }
0xf8: {  	v1 =	vmax.f32 v1, v5;
	v5 =	vld [tilespmem:$0x5100]  }
0xf9: {  	v1 =	vmax.f32 v1, v6;
	v6 =	vld [tilespmem:$0x5180]  }
0xfa: {  	v1 =	vmax.f32 v1, v2;
	v2 =	vld [tilespmem:$0x5200]  }
0xfb: {  	v1 =	vmax.f32 v1, v3;
	v3 =	vld [tilespmem:$0x5280]  }
0xfc: {  	v1 =	vmax.f32 v1, v4;
	v4 =	vld [tilespmem:$0x5300]  }
0xfd: {  	v1 =	vmax.f32 v1, v5;
	v5 =	vld [tilespmem:$0x5380]  }
0xfe: {  	v1 =	vmax.f32 v1, v6;
	v6 =	vld [tilespmem:$0x5400]  }
0xff: {  	v1 =	vmax.f32 v1, v2;
	v2 =	vld [tilespmem:$0x5480]  }
0x100: {  	v1 =	vmax.f32 v1, v3;
	v3 =	vld [tilespmem:$0x5500]  }
0x101: {  	v1 =	vmax.f32 v1, v4;
	v4 =	vld [tilespmem:$0x5580]  }
0x102: {  	v1 =	vmax.f32 v1, v5;
	v5 =	vld [tilespmem:$0x5600]  }
0x103: {  	v1 =	vmax.f32 v1, v6;
	v6 =	vld [tilespmem:$0x5680]  }
0x104: {  	v1 =	vmax.f32 v1, v2;
	v2 =	vld [tilespmem:$0x5700]  }
0x105: {  	v1 =	vmax.f32 v1, v3;
	v3 =	vld [tilespmem:$0x5780]  }
0x106: {  	v1 =	vmax.f32 v1, v4;
	v4 =	vld [tilespmem:$0x5800]  }
0x107: {  	v1 =	vmax.f32 v1, v5;
	v5 =	vld [tilespmem:$0x5880]  }
0x108: {  	v1 =	vmax.f32 v1, v6;
	v6 =	vld [tilespmem:$0x5900]  }
0x109: {  	v1 =	vmax.f32 v1, v2;
	v2 =	vld [tilespmem:$0x5980]  }
0x10a: {  	v1 =	vmax.f32 v1, v3;
	v3 =	vld [tilespmem:$0x5A00]  }
0x10b: {  	v1 =	vmax.f32 v1, v4;
	v4 =	vld [tilespmem:$0x5A80]  }
0x10c: {  	v1 =	vmax.f32 v1, v5;
	v5 =	vld [tilespmem:$0x5B00]  }
0x10d: {  	v1 =	vmax.f32 v1, v6;
	v6 =	vld [tilespmem:$0x5B80]  }
0x10e: {  	v1 =	vmax.f32 v1, v2;
	v2 =	vld [tilespmem:$0x5C00]  }
0x10f: {  	v1 =	vmax.f32 v1, v3;
	v3 =	vld [tilespmem:$0x5C80]  }
0x110: {  	v1 =	vmax.f32 v1, v4;
	v4 =	vld [tilespmem:$0x5D00]  }
0x111: {  	v1 =	vmax.f32 v1, v5;
	v5 =	vld [tilespmem:$0x5D80]  }
0x112: {  	v1 =	vmax.f32 v1, v6;
	v6 =	vld [tilespmem:$0x5E00]  }
0x113: {  	v1 =	vmax.f32 v1, v2;
	v2 =	vld [tilespmem:$0x5E80]  }
0x114: {  	v1 =	vmax.f32 v1, v3;
	v3 =	vld [tilespmem:$0x5F00]  }
0x115: {  	s13 =	simm.s32 $0x4200;
	v1 =	vmax.f32 v1, v4;
	v4 =	vld [tilespmem:$0x5F80]  }
0x116: {  	v1 =	vmax.f32 v1, v5;
	v5 =	vld [tilespmem:s13+$0xFFFFFE00]  }
0x117: {  	v1 =	vmax.f32 v1, v6  }
0x118: {  	v1 =	vmax.f32 v1, v2  }
0x119: {  	v2 =	vld [tilespmem:s13+$0xFFFFFE80];
	v1 =	vmax.f32 v1, v3  }
0x11a: {  	v3 =	vimm.f32 $0.0e+00;
	v1 =	vmax.f32 v1, v4  }
0x11b: {  	vm1 =	veq.f32 v3, $0.0e+00;
	vm0 =	veq.f32 v5, v1  }
0x11c: {  	v4 =	vld [tilespmem:s13+$0xFFFFFF00];
	vm0 =	vmand vm1, vm0  }
0x11d: {  	v3 =	vsel vm0, $0x3F800000, v3  }
0x11e: {  	vm8 =	veq.f32 v2, v1;
	vm2 =	veq.f32 v3, $0.0e+00  }
0x11f: {  	v6 =	vld [tilespmem:s13+$0xFFFFFF80];
	vm1 =	vmand vm8, vm2  }
0x120: {  	v3 =	vsel vm1, $0x3F800000, v3  }
0x121: {  	vm9 =	veq.f32 v4, v1;
	vm3 =	veq.f32 v3, $0.0e+00  }
0x122: {  	v7 =	vld [tilespmem:s13+$0x0];
	vm2 =	vmand vm9, vm3  }
0x123: {  	v3 =	vsel vm2, $0x3F800000, v3  }
0x124: {  	vm10 =	veq.f32 v6, v1;
	vm4 =	veq.f32 v3, $0.0e+00  }
0x125: {  	vm3 =	vmand vm10, vm4  }
0x126: {  	v8 =	vld [tilespmem:s13+$0x80];
	v3 =	vsel vm3, $0x3F800000, v3  }
0x127: {  	vm11 =	veq.f32 v7, v1;
	vm12 =	veq.f32 v3, $0.0e+00  }
0x128: {  	v5 =	vsel vm0, $0xFF800000, v5;
	v2 =	vsel vm1, $0xFF800000, v2;
	vm0 =	vmand vm11, vm12  }
0x129: {  	[tilespmem:s13+$0xFFFFFE80] =	vst v2;
	v2 =	vsel vm2, $0xFF800000, v4;
	v4 =	vsel vm0, $0x3F800000, v3;
	v3 =	vld [tilespmem:s13+$0x100]  }
0x12a: {  	[tilespmem:s13+$0xFFFFFE00] =	vst v5  }
0x12b: {  	vm13 =	veq.f32 v8, v1;
	[tilespmem:s13+$0xFFFFFF00] =	vst v2;
	v2 =	vsel vm3, $0xFF800000, v6;
	vm14 =	veq.f32 v4, $0.0e+00  }
0x12c: {  	[tilespmem:s13+$0xFFFFFF80] =	vst v2;
	v2 =	vld [tilespmem:s13+$0x180];
	v5 =	vsel vm0, $0xFF800000, v7;
	vm15 =	vmand vm13, vm14  }
0x12d: {  	s14 =	simm.s32 $0x0;
	s15 =	simm.s32 $0x4200;
	[tilespmem:s13+$0x0] =	vst v5;
	v5 =	vsel vm15, $0xFF800000, v8;
	v4 =	vsel vm15, $0x3F800000, v4  }
.LBB2_10:
0x12e: {  	s14 =	sadd.s32 $0x8, s14;
	[tilespmem:s13+$0x80] =	vst v5;
	vm0 =	veq.f32 v3, v1;
	vm1 =	veq.f32 v4, $0.0e+00;
	s15 =	sadd.s32 $0x400, s15  }
0x12f: {  	v5 =	vld [tilespmem:s15+$0xFFFFFE00];
	p0 =	slt.u32 s14, $0x38;
	vm0 =	vmand vm0, vm1  }
0x130: {  	v3 =	vsel vm0, $0xFF800000, v3;
	v4 =	vsel vm0, $0x3F800000, v4  }
0x131: {  	[tilespmem:s13+$0x100] =	vst v3;
	vm0 =	veq.f32 v2, v1;
	vm1 =	veq.f32 v4, $0.0e+00  }
0x132: {  	v3 =	vld [tilespmem:s15+$0xFFFFFE80];
	vm0 =	vmand vm0, vm1  }
0x133: {  	v2 =	vsel vm0, $0xFF800000, v2;
	v4 =	vsel vm0, $0x3F800000, v4  }
0x134: {  	vm0 =	veq.f32 v5, v1;
	vm1 =	veq.f32 v4, $0.0e+00;
	[tilespmem:s13+$0x180] =	vst v2;
	s13 =	smov.u32 s15  }
0x135: {  	vm0 =	vmand vm1, vm0;
	v2 =	vld [tilespmem:s15+$0xFFFFFF00]  }
0x136: {  	v5 =	vsel vm0, $0xFF800000, v5;
	v4 =	vsel vm0, $0x3F800000, v4  }
0x137: {  	[tilespmem:s15+$0xFFFFFE00] =	vst v5;
	vm0 =	veq.f32 v3, v1;
	vm1 =	veq.f32 v4, $0.0e+00  }
0x138: {  	vm0 =	vmand vm0, vm1;
	v5 =	vld [tilespmem:s15+$0xFFFFFF80]  }
0x139: {  	v3 =	vsel vm0, $0xFF800000, v3;
	v4 =	vsel vm0, $0x3F800000, v4  }
0x13a: {  	[tilespmem:s15+$0xFFFFFE80] =	vst v3;
	vm0 =	veq.f32 v2, v1;
	vm1 =	veq.f32 v4, $0.0e+00  }
0x13b: {  	vm0 =	vmand vm0, vm1;
	v6 =	vld [tilespmem:s15+$0x0]  }
0x13c: {  	v2 =	vsel vm0, $0xFF800000, v2;
	v3 =	vsel vm0, $0x3F800000, v4  }
0x13d: {  	[tilespmem:s15+$0xFFFFFF00] =	vst v2;
	vm0 =	veq.f32 v5, v1;
	vm1 =	veq.f32 v3, $0.0e+00  }
0x13e: {  	vm0 =	vmand vm0, vm1;
	v4 =	vld [tilespmem:s15+$0x80]  }
0x13f: {  	v2 =	vsel vm0, $0xFF800000, v5;
	v5 =	vsel vm0, $0x3F800000, v3  }
0x140: {  	[tilespmem:s15+$0xFFFFFF80] =	vst v2;
	vm0 =	veq.f32 v6, v1;
	vm1 =	veq.f32 v5, $0.0e+00  }
.Ltmp4:
0x141: {  	vm0 =	vmand vm0, vm1;
	v3 =	vld [tilespmem:s15+$0x100];
	(pc) =	sbr.rel @p0 .LBB2_10-.Ltmp4, $4  }
0x142: {  	v2 =	vsel vm0, $0xFF800000, v6;
	v6 =	vsel vm0, $0x3F800000, v5  }
0x143: {  	[tilespmem:s15+$0x0] =	vst v2;
	vm0 =	veq.f32 v4, v1;
	vm1 =	veq.f32 v6, $0.0e+00  }
0x144: {  	vm0 =	vmand vm0, vm1;
	v2 =	vld [tilespmem:s15+$0x180]  }
0x145: {  	v5 =	vsel vm0, $0xFF800000, v4;
	v4 =	vsel vm0, $0x3F800000, v6  }
0x146: {  	vm0 =	veq.f32 v3, v1;
	vm1 =	veq.f32 v4, $0.0e+00;
	s12 =	sadd.s32 $0x1, s12  }
0x147: {  	vm0 =	vmand vm0, vm1;
	p0 =	sne.s32 s12, $0x8  }
.Ltmp5:
0x148: {  	v63 =	vsel vm0, $0x3F800000, v4;
	(pc) =	sbr.rel @p0 .LBB2_9-.Ltmp5, $4  }
0x149: {  	vm14 =	veq.f32 v2, v1;
	vm2 =	veq.f32 v63, $0.0e+00  }
0x14a: {  	[tilespmem:s13+$0x80] =	vst v5;
	v1 =	vsel vm0, $0xFF800000, v3;
	vm15 =	vmand vm14, vm2  }
0x14b: {  	[tilespmem:s13+$0x100] =	vst v1;
	v1 =	vsel vm15, $0xFF800000, v2  }
0x14c: {  	[tilespmem:s13+$0x180] =	vst v1  }
0x14d: {  	s12 =	simm.s32 $0x0  }
0x14e: {  	s16 =	simm.s32 $0x4100;
	s13 =	sand.u32 $0xE00, s12  }
0x14f: {  	v2 =	vld [tilespmem:s16+$0xFFFFFF00];
	s15 =	sshrl.u32 s13, $0x2  }
0x150: {  	v1 =	vld [tilespmem:s15+$0x8400]  }
0x151: {  	s14 =	simm.s32 $0x100  }
0x152: {  	v3 =	vld [tilespmem:s14+$0xFFFFFF00];
	_ =	sdelay $0x2  }
0x153: {  	vm1 =	veq.f32 v2, $-Inf;
	vm0 =	vgt.f32 v1, $0.0e+00  }
0x154: {  	vm0 =	vmand vm0, vm1  }
0x155: {  	s13 =	simm.s32 $0x6100;
	v2 =	vnsel vm0, $0x0, v3  }
0x156: {  	[tilespmem:s13+$0xFFFFFF00] =	vst v2  }
0x157: {  	v1 =	vld [tilespmem:s15+$0x8400]  }
0x158: {  	v3 =	vld [tilespmem:s16+$0xFFFFFF80];
	_ =	sdelay $0x1  }
0x159: {  	v4 =	vld [tilespmem:s14+$0xFFFFFF80];
	_ =	sdelay $0x2  }
0x15a: {  	vm12 =	vgt.f32 v1, $0.0e+00;
	vm13 =	veq.f32 v3, $-Inf  }
0x15b: {  	vm0 =	vmand vm12, vm13  }
0x15c: {  	v5 =	vnsel vm0, $0x0, v4  }
0x15d: {  	[tilespmem:s13+$0xFFFFFF80] =	vst v5  }
0x15e: {  	v1 =	vld [tilespmem:s15+$0x8400]  }
0x15f: {  	v3 =	vld [tilespmem:s16+$0x0];
	_ =	sdelay $0x1  }
0x160: {  	v4 =	vld [tilespmem:s14+$0x0];
	_ =	sdelay $0x2  }
0x161: {  	vm14 =	vgt.f32 v1, $0.0e+00;
	vm15 =	veq.f32 v3, $-Inf  }
0x162: {  	vm0 =	vmand vm14, vm15  }
0x163: {  	v1 =	vnsel vm0, $0x0, v4  }
0x164: {  	[tilespmem:s13+$0x0] =	vst v1  }
0x165: {  	v4 =	vimm.f32 $0.0e+00;
	v3 =	vld [tilespmem:s15+$0x8400]  }
0x166: {  	v6 =	vadd.f32 v2, v4;
	v4 =	vld [tilespmem:s16+$0x80];
	_ =	sdelay $0x1  }
0x167: {  	v2 =	vld [tilespmem:s14+$0x80]  }
0x168: {  	s17 =	simm.s32 $0x6300;
	s15 =	simm.s32 $0x0;
	s16 =	simm.s32 $0x4300;
	v5 =	vadd.f32 v5, v6  }
.LBB2_13:
0x169: {  	s15 =	sadd.s32 $0x4, s15;
	s12 =	sadd.s32 $0x100, s12;
	s14 =	sadd.s32 $0x200, s14  }
0x16a: {  	vm0 =	vgt.f32 v3, $0.0e+00;
	p0 =	slt.u32 s15, $0x3C;
	v1 =	vadd.f32 v1, v5;
	vm1 =	veq.f32 v4, $-Inf  }
0x16b: {  	vm0 =	vmand vm0, vm1  }
0x16c: {  	s18 =	sand.u32 $0xE00, s12;
	v2 =	vnsel vm0, $0x0, v2  }
0x16d: {  	s18 =	sshrl.u32 s18, $0x2;
	[tilespmem:s13+$0x80] =	vst v2;
	v2 =	vadd.f32 v2, v1;
	s13 =	smov.u32 s17  }
0x16e: {  	v1 =	vld [tilespmem:s18+$0x8400]  }
0x16f: {  	v3 =	vld [tilespmem:s16+$0xFFFFFF00];
	_ =	sdelay $0x1  }
0x170: {  	v4 =	vld [tilespmem:s14+$0xFFFFFF00];
	_ =	sdelay $0x2  }
0x171: {  	vm0 =	vgt.f32 v1, $0.0e+00;
	vm1 =	veq.f32 v3, $-Inf  }
0x172: {  	vm0 =	vmand vm0, vm1  }
0x173: {  	v5 =	vnsel vm0, $0x0, v4  }
0x174: {  	[tilespmem:s17+$0xFFFFFF00] =	vst v5  }
0x175: {  	v1 =	vld [tilespmem:s18+$0x8400]  }
0x176: {  	v3 =	vld [tilespmem:s16+$0xFFFFFF80];
	_ =	sdelay $0x1  }
0x177: {  	v4 =	vld [tilespmem:s14+$0xFFFFFF80];
	_ =	sdelay $0x2  }
0x178: {  	vm0 =	vgt.f32 v1, $0.0e+00;
	vm1 =	veq.f32 v3, $-Inf  }
0x179: {  	vm0 =	vmand vm0, vm1  }
0x17a: {  	v6 =	vnsel vm0, $0x0, v4  }
0x17b: {  	[tilespmem:s17+$0xFFFFFF80] =	vst v6  }
0x17c: {  	v1 =	vld [tilespmem:s18+$0x8400]  }
0x17d: {  	v3 =	vld [tilespmem:s16+$0x0];
	_ =	sdelay $0x1  }
0x17e: {  	v4 =	vld [tilespmem:s14+$0x0];
	_ =	sdelay $0x1  }
0x17f: {  	vm0 =	vgt.f32 v1, $0.0e+00  }
0x180: {  	vm1 =	veq.f32 v3, $-Inf  }
0x181: {  	vm0 =	vmand vm0, vm1  }
0x182: {  	v1 =	vnsel vm0, $0x0, v4  }
0x183: {  	[tilespmem:s17+$0x0] =	vst v1  }
.Ltmp6:
0x184: {  	v3 =	vld [tilespmem:s18+$0x8400];
	(pc) =	sbr.rel @p0 .LBB2_13-.Ltmp6, $3  }
0x185: {  	v4 =	vld [tilespmem:s16+$0x80]  }
0x186: {  	v5 =	vadd.f32 v5, v2;
	v2 =	vld [tilespmem:s14+$0x80];
	_ =	sdelay $0x1  }
0x187: {  	v5 =	vadd.f32 v6, v5;
	s17 =	sadd.s32 $0x200, s17;
	s16 =	sadd.s32 $0x200, s16  }
0x188: {  	_ = 	snop  }
0x189: {  	vm0 =	vgt.f32 v3, $0.0e+00;
	vm1 =	veq.f32 v4, $-Inf  }
0x18a: {  	v1 =	vadd.f32 v1, v5;
	vm0 =	vmand vm0, vm1  }
0x18b: {  	v2 =	vnsel vm0, $0x0, v2  }
0x18c: {  	v1 =	vadd.f32 v2, v1;
	_ =	sdelay $0x1  }
0x18d: {  	v1 =	vadd.f32 $9.999999680e-21, v1;
	_ =	sdelay $0x1  }
0x18e: {  	(erf) = vrcp.f32 v1;
	_ =	sdelay $0x5  }
0x18f: {  	s12 =	simm.s32 $0x6100;
	[tilespmem:s13+$0x80] =	vst v2  }
0x190: {  	v2 =	vld [tilespmem:s12+$0xFFFFFF00];
	_ =	sdelay $0x1  }
0x191: {  	v1 =	vpop (erf)  }
0x192: {  	v3 =	vld [tilespmem:s12+$0xFFFFFF80];
	v1 =	vmul.f32 $2.500000000e+00, v1  }
0x193: {  	v5 =	vld [tilespmem:s12+$0x0]  }
0x194: {  	v6 =	vmul.f32 v2, v1;
	v2 =	vld [tilespmem:s12+$0x80];
	_ =	sdelay $0x2  }
0x195: {  	v4 =	vmul.f32 v3, v1  }
0x196: {  	s14 =	simm.s32 $0x6300;
	s13 =	simm.s32 $0x0;
	v3 =	vmul.f32 v5, v1;
	[tilespmem:s12+$0xFFFFFF00] =	vst v6  }
.LBB2_15:
0x197: {  	v5 =	vld [tilespmem:s14+$0xFFFFFF00];
	[tilespmem:s12+$0xFFFFFF80] =	vst v4;
	v2 =	vmul.f32 v2, v1  }
0x198: {  	s13 =	sadd.s32 $0x4, s13;
	v4 =	vld [tilespmem:s14+$0xFFFFFF80];
	[tilespmem:s12+$0x0] =	vst v3  }
0x199: {  	p0 =	slt.u32 s13, $0x3C;
	v3 =	vld [tilespmem:s14+$0x0];
	[tilespmem:s12+$0x80] =	vst v2;
	s12 =	smov.u32 s14  }
.Ltmp7:
0x19a: {  	v2 =	vld [tilespmem:s14+$0x80];
	(pc) =	sbr.rel @p0 .LBB2_15-.Ltmp7, $4  }
0x19b: {  	_ = 	snop  }
0x19c: {  	v5 =	vmul.f32 v5, v1  }
0x19d: {  	v4 =	vmul.f32 v4, v1  }
0x19e: {  	s14 =	sadd.s32 $0x200, s14;
	[tilespmem:s12+$0xFFFFFF00] =	vst v5;
	v3 =	vmul.f32 v3, v1  }
0x19f: {  	[tilespmem:s12+$0xFFFFFF80] =	vst v4;
	v1 =	vmul.f32 v2, v1;
	s2 =	sadd.s32 $0x1, s2  }
0x1a0: {  	[tilespmem:s12+$0x0] =	vst v3;
	p0 =	sne.s32 s2, s6  }
.Ltmp8:
0x1a1: {  	[tilespmem:s12+$0x80] =	vst v1;
	(pc) =	sbr.rel @p0 .LBB2_2-.Ltmp8, $4  }
0x1a2: {  	[hbm4b:s4+s9] =	stream.strided.scatter [tilespmem:s11], [sflag:$0x1], $0x2000, s10, s9, $0x38;
	[tilespmem:$0x8800] =	vst v63  }
0x1a3: {  	_ =	swait.ge [sflag:s7], $0x2000  }
0x1a4: {  	[sflag:s7] =	ssyncset.done $0x0  }
0x1a5: {  	[sflag:s7] =	ssyncadd.s32 $0xFFFFE000  }
.LBB2_17:
0x1a6: {  	_ =	sfence.sel $0x180000  }
0x1a7: {  	[bflag:$0x0] =	sbarrier.arrive $0xFFFF  }
0x1a8: {  	p0 =	sne.s32 s1, $0x0;
	_ =	strace $0x90000047  }
0x1a9: {  	s0 =	sadd.s32 @!p0 $0x100000, s0;
	[bflag:$0x2] =	sbarrier.arrive $0xFFFF  }
0x1aa: {  	[sflag:s0] =	ssyncadd.tile.s32 @!p0 $0x1;
	_ =	shalt  }
.Lfunc_end2:
_tile_overlayer_lowered:
.L_overlay_start_2:
0x1ab: {  	(tag) =	ssettag $0x2  }
0x1ac: {  	s0 =	rddreg [dreg:$0x0];
	s2 =	stileid.u32  }
0x1ad: {  	s1 =	rddreg [dreg:$0x1];
	p0 =	sne.s32 s2, $0x0  }
0x1ae: {  	s3 =	rddreg [dreg:$0x2];
	[bflag:$0x3] =	sbarrier.arrive $0xFFFF;
	s2 =	simm.s32 @!p0 $0x1C01  }
0x1af: {  	[timem:s3], [sflag:s2] =	dma.local @!p0 [hbm:s0], s1  }
0x1b0: {  	s0 =	simm.s32 @!p0 $0x1  }
0x1b1: {  	_ =	swait.ge @!p0 [sflag:s0], s1  }
0x1b2: {  	s1 =	ssub.s32 @!p0 $0x0, s1;
	[sflag:s0] =	ssyncset.done @!p0 $0x0  }
0x1b3: {  	[sflag:s0] =	ssyncadd.s32 @!p0 s1  }
0x1b4: {  	[bflag:$0x3] =	sbarrier.arrive $0xFFFF  }
0x1b5: {  	_ =	shalt  }

</sc_bundles>
